<compile_context>
chip_gen: v7x
topology: tpu7x:2x2x1
jax: 0.10.2.dev20260603
libtpu: 0.0.44.dev20260713+nightly
codegen_flags: <defaults>
</compile_context>

<pallas_src>
import functools

import jax
import jax.numpy as jnp
import numpy as np
from jax.experimental import pallas as pl
from jax.experimental.pallas import tpu as pltpu
from jax.sharding import PartitionSpec as P

DIM_STATE = 32
N_PARTICLES = 1024
DIM_OBS = 32
HIDDEN = 64
BATCH = 64
SEQ = 16

NDEV = 2 if jax.device_count() >= 2 else 1
B_LOC = BATCH // NDEV
ROWS_L = B_LOC * N_PARTICLES
BLK = 2048

_TINY = np.float32(np.finfo(np.float32).tiny)
_LO = np.float32(np.nextafter(np.float32(-1.0), np.float32(0.0)))


def _threefry_xor(kd0, kd1, x1):
    return _threefry_core(kd0, kd1, x1 + kd1)


def _threefry_core(ks0, ks1, x1):
    ks2 = ks0 ^ ks1 ^ jnp.uint32(0x1BD11BDA)
    x0 = jnp.zeros_like(x1) + ks0
    rots = ((13, 15, 26, 6), (17, 29, 16, 24))
    ks = (ks0, ks1, ks2)

    def rotl(x, d):
        return (x << jnp.uint32(d)) | (x >> jnp.uint32(32 - d))

    for i in range(5):
        for r in rots[i % 2]:
            x0 = x0 + x1
            x1 = rotl(x1, r)
            x1 = x0 ^ x1
        x0 = x0 + ks[(i + 1) % 3]
        x1 = x1 + ks[(i + 2) % 3] + jnp.uint32(i + 1)
    return x0 ^ x1


def _bits_to_unit(bits):
    fb = (bits >> jnp.uint32(9)) | jnp.uint32(0x3F800000)
    return jax.lax.bitcast_convert_type(fb, jnp.float32) - jnp.float32(1.0)


PBLK = 128
PCHUNK = 4


def _cat_kernel(k1_ref, b0_ref, w_ref, idx_ref):
    i = pl.program_id(0)
    wv = w_ref[...]
    ks0 = k1_ref[0, 0]
    ks1 = k1_ref[0, 1]
    b0 = b0_ref[0, 0]
    Pn = N_PARTICLES

    bb = jax.lax.broadcasted_iota(jnp.uint32, (PCHUNK, B_LOC, Pn), 1)
    pp = jax.lax.broadcasted_iota(jnp.uint32, (PCHUNK, B_LOC, Pn), 0)
    jj = jax.lax.broadcasted_iota(jnp.uint32, (PCHUNK, B_LOC, Pn), 2)
    jn = jax.lax.broadcasted_iota(jnp.int32, (PCHUNK, B_LOC, Pn), 2)
    b0u = b0.astype(jnp.uint32)
    inv = (((pp * jnp.uint32(BATCH) + bb + b0u) << jnp.uint32(10)) + jj) + ks1

    def body(c, _):
        base_p = (i * PBLK + c * PCHUNK).astype(jnp.uint32)
        off = base_p * jnp.uint32(BATCH * N_PARTICLES)
        bits = _threefry_core(ks0, ks1, inv + off)
        f = _bits_to_unit(bits)
        u = f * (jnp.float32(1.0) - _TINY) + _TINY
        val = -jnp.log(-jnp.log(u)) + wv[None, :, :]
        m = jnp.max(val, axis=2, keepdims=True)
        cand = jnp.where(val == m, jn, jnp.int32(Pn))
        idxp = jnp.min(cand, axis=2).astype(jnp.int32)
        idx_ref[pl.ds(c * PCHUNK, PCHUNK), :] = idxp
        return 0

    jax.lax.fori_loop(0, PBLK // PCHUNK, body, 0)


def _cat_pallas(w, k1, b0):
    return pl.pallas_call(
        _cat_kernel,
        grid=(N_PARTICLES // PBLK,),
        in_specs=[
            pl.BlockSpec(memory_space=pltpu.SMEM),
            pl.BlockSpec(memory_space=pltpu.SMEM),
            pl.BlockSpec((B_LOC, N_PARTICLES), lambda i: (0, 0)),
        ],
        out_specs=pl.BlockSpec((PBLK, B_LOC), lambda i: (i, 0)),
        out_shape=jax.ShapeDtypeStruct((N_PARTICLES, B_LOC), jnp.int32),
    )(k1, b0, w)


def _step_kernel(x_ref, st_ref,
                 W1_ref, U1_ref, b1_ref, W2_ref, U2_ref, b2_ref,
                 Wm1_ref, bm1_ref, Wm2_ref, bm2_ref,
                 sto_ref, wo_ref):
    x = x_ref[...]
    st = st_ref[...]
    D = DIM_STATE

    def bdot(a, bmat):
        return jnp.dot(a.astype(jnp.bfloat16), bmat.astype(jnp.bfloat16),
                       preferred_element_type=jnp.float32)

    def lstm(xv, h, c, W, U, b):
        z = bdot(xv, W)
        z = z + bdot(h, U)
        z = z + b[None, :]
        i = jax.nn.sigmoid(z[:, 0:D])
        f = jax.nn.sigmoid(z[:, D:2 * D])
        g = jnp.tanh(z[:, 2 * D:3 * D])
        o = jax.nn.sigmoid(z[:, 3 * D:4 * D])
        c_new = f * c + i * g
        h_new = o * jnp.tanh(c_new)
        return h_new, c_new

    h1f, c1f = lstm(x, st[:, 0:D], st[:, D:2 * D], W1_ref[...], U1_ref[...], b1_ref[...][0])
    h2f, c2f = lstm(h1f, st[:, 2 * D:3 * D], st[:, 3 * D:4 * D],
                    W2_ref[...], U2_ref[...], b2_ref[...][0])
    sto_ref[...] = jnp.concatenate([h1f, c1f, h2f, c2f], axis=1)
    ob = x[:, D:D + DIM_OBS]
    minp = jnp.concatenate([ob, h2f], axis=1)
    hid = jnp.dot(minp.astype(jnp.bfloat16), Wm1_ref[...].astype(jnp.bfloat16),
                  preferred_element_type=jnp.float32)
    hid = jax.nn.relu(hid + bm1_ref[...][0])
    wv = jnp.dot(hid.astype(jnp.bfloat16), Wm2_ref[...].astype(jnp.bfloat16),
                 preferred_element_type=jnp.float32)
    wo_ref[...] = wv + bm2_ref[...][0, 0]


def _row_spec(width):
    return pl.BlockSpec((BLK, width), lambda i: (i, 0))


def _full_spec(shape):
    return pl.BlockSpec(shape, lambda i: tuple(0 for _ in shape))


def _step_pallas(x, st, W1, U1, b1, W2, U2, b2, Wm1, bm1, Wm2, bm2):
    n = ROWS_L // BLK
    out_shapes = [jax.ShapeDtypeStruct((ROWS_L, 4 * DIM_STATE), jnp.float32),
                  jax.ShapeDtypeStruct((ROWS_L, 1), jnp.float32)]
    in_specs = [
        _row_spec(DIM_STATE + DIM_OBS),
        _row_spec(4 * DIM_STATE),
        _full_spec(W1.shape), _full_spec(U1.shape), _full_spec((1, 4 * DIM_STATE)),
        _full_spec(W2.shape), _full_spec(U2.shape), _full_spec((1, 4 * DIM_STATE)),
        _full_spec(Wm1.shape), _full_spec((1, HIDDEN)),
        _full_spec(Wm2.shape), _full_spec((1, 1)),
    ]
    out_specs = [_row_spec(4 * DIM_STATE), _row_spec(1)]
    return pl.pallas_call(
        _step_kernel,
        grid=(n,),
        in_specs=in_specs,
        out_specs=out_specs,
        out_shape=out_shapes,
    )(x, st, W1, U1, b1.reshape(1, -1), W2, U2, b2.reshape(1, -1),
      Wm1, bm1.reshape(1, -1), Wm2, bm2.reshape(1, 1))


def _shard_filter(obs_l, k1d, k2d, W1, U1, b1, W2, U2, b2, Wm1, bm1, Wm2, bm2):
    b0 = jax.lax.axis_index("x") * B_LOC
    return _filter_local(b0, obs_l, k1d, k2d, W1, U1, b1, W2, U2, b2,
                         Wm1, bm1, Wm2, bm2)


def _filter_local(b0, obs_l, k1d, k2d, W1, U1, b1, W2, U2, b2, Wm1, bm1, Wm2, bm2):
    Pn, D, B = N_PARTICLES, DIM_STATE, BATCH

    st = jnp.zeros((B_LOC, Pn, 4 * D), jnp.float32)
    w = jnp.ones((B_LOC, Pn), jnp.float32) / Pn
    obs_t = jnp.transpose(obs_l, (1, 0, 2))
    b0_arr = b0.astype(jnp.int32).reshape(1, 1)

    np_idx = jax.lax.broadcasted_iota(jnp.uint32, (B_LOC, Pn, D), 0)
    np_p = jax.lax.broadcasted_iota(jnp.uint32, (B_LOC, Pn, D), 1)
    np_d = jax.lax.broadcasted_iota(jnp.uint32, (B_LOC, Pn, D), 2)
    noise_idx = (((np_idx + b0.astype(jnp.uint32)) * jnp.uint32(Pn) + np_p)
                 << jnp.uint32(5)) + np_d

    def step(carry, xs):
        st, w = carry
        ob, k1, k2 = xs
        idx = _cat_pallas(w, k1.reshape(1, 2), b0_arr).T
        st_g = jnp.take_along_axis(st, idx[..., None], axis=1)
        nbits = _threefry_xor(k2[0], k2[1], noise_idx)
        nf = _bits_to_unit(nbits)
        nu = jnp.maximum(_LO, nf * (jnp.float32(1.0) - _LO) + _LO)
        noise = jnp.sqrt(jnp.float32(2.0)) * jax.lax.erf_inv(nu)
        ob_t = jnp.broadcast_to(ob[:, None, :], (B_LOC, Pn, DIM_OBS))
        x = jnp.concatenate([noise, ob_t], axis=-1).reshape(ROWS_L, D + DIM_OBS)
        sto, wv = _step_pallas(x, st_g.reshape(ROWS_L, 4 * D),
                               W1, U1, b1, W2, U2, b2, Wm1, bm1, Wm2, bm2)
        w_new = wv[:, 0].reshape(B_LOC, Pn)
        return (sto.reshape(B_LOC, Pn, 4 * D), w_new), None

    (st, w), _ = jax.lax.scan(step, (st, w), (obs_t, k1d, k2d))
    return st[..., 2 * DIM_STATE:3 * DIM_STATE], w


def kernel(observations, W1, U1, b1, W2, U2, b2, Wm1, bm1, Wm2, bm2):
    T = SEQ
    keys = jax.random.split(jax.random.key(42), T)
    k12 = jax.vmap(jax.random.split)(keys)
    kd = jax.random.key_data(k12).astype(jnp.uint32)
    k1d, k2d = kd[:, 0, :], kd[:, 1, :]

    if NDEV == 1:
        return _filter_local(jnp.int32(0), observations, k1d, k2d,
                             W1, U1, b1, W2, U2, b2, Wm1, bm1, Wm2, bm2)
    mesh = jax.make_mesh((NDEV,), ("x",))
    observations = jax.reshard(
        observations, jax.NamedSharding(mesh, P("x", None, None)))
    fn = jax.shard_map(
        _shard_filter, mesh=mesh,
        in_specs=(P("x"), P(), P(), P(), P(), P(), P(), P(), P(), P(), P(), P(), P()),
        out_specs=(P("x"), P("x")),
        check_vma=False,
    )
    return fn(observations, k1d, k2d, W1, U1, b1, W2, U2, b2, Wm1, bm1, Wm2, bm2)

# --- scband reference (transcript-rebuilt; emitter-appended) ---
"""Pipeline reference for scband-particle-filter-53085795778860 (READ-ONLY COPY).

The authoritative reference and input builder live on the scoring server;
editing this copy changes nothing except your own understanding.
"""

import jax, jax.numpy as jnp
import numpy as np

DIM_STATE = 32
N_PARTICLES = 1024
DIM_OBS = 32
HIDDEN = 64
BATCH = 64
SEQ = 16


def setup_inputs(seed: int = 0):
    key = jax.random.key(seed)
    ks = jax.random.split(key, 8)
    s = 0.05
    inp = {
        "observations": jax.random.normal(ks[0], (BATCH, SEQ, DIM_OBS), dtype=jnp.float32),
        "W1": jax.random.normal(ks[1], (DIM_STATE + DIM_OBS, 4 * DIM_STATE), dtype=jnp.float32) * s,
        "U1": jax.random.normal(ks[2], (DIM_STATE, 4 * DIM_STATE), dtype=jnp.float32) * s,
        "b1": jnp.zeros((4 * DIM_STATE,), dtype=jnp.float32),
        "W2": jax.random.normal(ks[3], (DIM_STATE, 4 * DIM_STATE), dtype=jnp.float32) * s,
        "U2": jax.random.normal(ks[4], (DIM_STATE, 4 * DIM_STATE), dtype=jnp.float32) * s,
        "b2": jnp.zeros((4 * DIM_STATE,), dtype=jnp.float32),
        "Wm1": jax.random.normal(ks[5], (DIM_OBS + DIM_STATE, HIDDEN), dtype=jnp.float32) * s,
        "bm1": jnp.zeros((HIDDEN,), dtype=jnp.float32),
        "Wm2": jax.random.normal(ks[6], (HIDDEN, 1), dtype=jnp.float32) * s,
        "bm2": jnp.zeros((1,), dtype=jnp.float32),
    }
    return inp


def _lstm_cell(x, h, c, W, U, b):
    z = x @ W + h @ U + b
    i, f, g, o = jnp.split(z, 4, axis=-1)
    i = jax.nn.sigmoid(i)
    f = jax.nn.sigmoid(f)
    g = jnp.tanh(g)
    o = jax.nn.sigmoid(o)
    c_new = f * c + i * g
    h_new = o * jnp.tanh(c_new)
    return h_new, c_new


def _particle_filter(observations, W1, U1, b1, W2, U2, b2, Wm1, bm1, Wm2, bm2):
    B, T, dim_obs = observations.shape
    P, D = N_PARTICLES, DIM_STATE
    h1 = jnp.zeros((B, P, D), jnp.float32)
    c1 = jnp.zeros((B, P, D), jnp.float32)
    h2 = jnp.zeros((B, P, D), jnp.float32)
    c2 = jnp.zeros((B, P, D), jnp.float32)
    w = jnp.ones((B, P), jnp.float32) / P
    keys = jax.random.split(jax.random.key(42), T)
    obs_t = jnp.transpose(observations, (1, 0, 2))

    def step(carry, xs):
        h1, c1, h2, c2, w = carry
        ob, key = xs
        k1, k2 = jax.random.split(key)
        # _resample: tf.random.categorical treats weights as logits
        idx = jax.random.categorical(k1, w, shape=(P, B)).T  # [B, P]
        gi = idx[..., None]
        h1 = jnp.take_along_axis(h1, gi, axis=1)
        c1 = jnp.take_along_axis(c1, gi, axis=1)
        h2 = jnp.take_along_axis(h2, gi, axis=1)
        c2 = jnp.take_along_axis(c2, gi, axis=1)
        # ParticleCell forward: noise concatenated with tiled observation
        noise = jax.random.normal(k2, (B, P, D), jnp.float32)
        ob_t = jnp.broadcast_to(ob[:, None, :], (B, P, dim_obs))
        x = jnp.concatenate([noise, ob_t], axis=-1).reshape(B * P, D + dim_obs)
        h1f, c1f = _lstm_cell(x, h1.reshape(B * P, D), c1.reshape(B * P, D), W1, U1, b1)
        h2f, c2f = _lstm_cell(h1f, h2.reshape(B * P, D), c2.reshape(B * P, D), W2, U2, b2)
        particles = h2f.reshape(B, P, D)
        # _measurement: m_model MLP on concat([obs, particles])
        minp = jnp.concatenate([ob_t, particles], axis=-1)
        hid = jax.nn.relu(minp @ Wm1 + bm1)
        w_new = (hid @ Wm2 + bm2)[..., 0]  # [B, P]
        carry = (h1f.reshape(B, P, D), c1f.reshape(B, P, D), particles, c2f.reshape(B, P, D), w_new)
        return carry, (particles, w_new)

    _, (parts, wts) = jax.lax.scan(step, (h1, c1, h2, c2, w), (obs_t, keys))
    return parts[-1], wts[-1]


def reference(observations, W1, U1, b1, W2, U2, b2, Wm1, bm1, Wm2, bm2):
    return _particle_filter(observations, W1, U1, b1, W2, U2, b2, Wm1, bm1, Wm2, bm2)

if __name__ == "__main__":
    import jax
    _d = setup_inputs()
    print(jax.jit(kernel)(*tuple(_d.values())))

</pallas_src>

<mosaic_0001>
module attributes {stable_mosaic.version = 14 : i64} {
  func.func @_cat_kernel(%arg0: i32, %arg1: memref<1x2xi32, #tpu.memory_space<smem>>, %arg2: memref<1x1xi32, #tpu.memory_space<smem>>, %arg3: memref<64x1024xf32, #tpu.memory_space<vmem>>, %arg4: memref<128x64xi32, #tpu.memory_space<vmem>>) attributes {dimension_semantics = [#tpu.dimension_semantics<arbitrary>], iteration_bounds = array<i64: 8>, scalar_prefetch = 0 : i64, scratch_operands = 0 : i64, tpu.core_type = #tpu.core_type<tc>, window_params = [{transform_indices = @transform_0, window_bounds = array<i64: 1, 2>}, {transform_indices = @transform_1, window_bounds = array<i64: 1, 1>}, {pipeline_mode = #tpu.pipeline_mode<synchronous>, transform_indices = @transform_2, window_bounds = array<i64: 64, 1024>}, {transform_indices = @transform_3, window_bounds = array<i64: 128, 64>}]} {
    %get3A = arith.constant 0 : index
    %get3A_0 = arith.constant 0 : index
    %get3A_1 = vector.load %arg3[%get3A, %get3A_0] : memref<64x1024xf32, #tpu.memory_space<vmem>>, vector<64x1024xf32>
    %get3A_2 = arith.constant 0 : index
    %get3A_3 = arith.constant 0 : index
    %get3A_4 = memref.load %arg1[%get3A_2, %get3A_3] : memref<1x2xi32, #tpu.memory_space<smem>>
    %get3A_5 = arith.constant 0 : index
    %get3A_6 = arith.constant 1 : index
    %get3A_7 = memref.load %arg1[%get3A_5, %get3A_6] : memref<1x2xi32, #tpu.memory_space<smem>>
    %get3A_8 = arith.constant 0 : index
    %get3A_9 = arith.constant 0 : index
    %get3A_10 = memref.load %arg2[%get3A_8, %get3A_9] : memref<1x1xi32, #tpu.memory_space<smem>>
    %iota3A = tpu.iota {dimensions = array<i32: 1>} : vector<4x64x1024xi32>
    %iota3A_11 = tpu.iota {dimensions = array<i32: 0>} : vector<4x64x1024xi32>
    %iota3A_12 = tpu.iota {dimensions = array<i32: 2>} : vector<4x64x1024xi32>
    %iota3A_13 = tpu.iota {dimensions = array<i32: 2>} : vector<4x64x1024xi32>
    %mul3A = arith.constant 64 : i32
    %mul3A_14 = vector.broadcast %mul3A : i32 to vector<4x64x1024xi32>
    %mul3A_15 = arith.muli %iota3A_11, %mul3A_14 : vector<4x64x1024xi32>
    %add3A = arith.addi %mul3A_15, %iota3A : vector<4x64x1024xi32>
    %add3A_16 = vector.broadcast %get3A_10 : i32 to vector<4x64x1024xi32>
    %add3A_17 = arith.addi %add3A, %add3A_16 : vector<4x64x1024xi32>
    %shift_left3A = arith.constant 10 : i32
    %shift_left3A_18 = vector.broadcast %shift_left3A : i32 to vector<4x64x1024xi32>
    %shift_left3A_19 = arith.shli %add3A_17, %shift_left3A_18 : vector<4x64x1024xi32>
    %add3A_20 = arith.addi %shift_left3A_19, %iota3A_12 : vector<4x64x1024xi32>
    %add3A_21 = vector.broadcast %get3A_7 : i32 to vector<4x64x1024xi32>
    %add3A_22 = arith.addi %add3A_20, %add3A_21 : vector<4x64x1024xi32>
    %scan3A = arith.constant 0 : i32
    %scan3A_23 = arith.constant 32 : i32
    %scan3A_24 = arith.addi %scan3A, %scan3A_23 : i32
    %scan3A_25 = arith.constant 1 : i32
    scf.for %scan3A_27 = %scan3A to %scan3A_24 step %scan3A_25  : i32 {
      %mul3A_28 = arith.constant 128 : i32
      %mul3A_29 = arith.muli %arg0, %mul3A_28 : i32
      %mul3A_30 = arith.constant 4 : i32
      %mul3A_31 = arith.muli %scan3A_27, %mul3A_30 : i32
      %add3A_32 = arith.addi %mul3A_29, %mul3A_31 : i32
      %mul3A_33 = arith.constant 65536 : i32
      %mul3A_34 = arith.muli %add3A_32, %mul3A_33 : i32
      %add3A_35 = vector.broadcast %mul3A_34 : i32 to vector<4x64x1024xi32>
      %add3A_36 = arith.addi %add3A_22, %add3A_35 : vector<4x64x1024xi32>
      %xor3A = arith.xori %get3A_4, %get3A_7 : i32
      %xor3A_37 = arith.constant 466688986 : i32
      %xor3A_38 = arith.xori %xor3A, %xor3A_37 : i32
      %broadcast_in_dim3A = arith.constant 0 : i32
      %broadcast_in_dim3A_39 = vector.broadcast %broadcast_in_dim3A : i32 to vector<4x64x1024xi32>
      %add3A_40 = vector.broadcast %get3A_4 : i32 to vector<4x64x1024xi32>
      %add3A_41 = arith.addi %broadcast_in_dim3A_39, %add3A_40 : vector<4x64x1024xi32>
      %add3A_42 = arith.addi %add3A_41, %add3A_36 : vector<4x64x1024xi32>
      %shift_left3A_43 = arith.constant 13 : i32
      %shift_left3A_44 = vector.broadcast %shift_left3A_43 : i32 to vector<4x64x1024xi32>
      %shift_left3A_45 = arith.shli %add3A_36, %shift_left3A_44 : vector<4x64x1024xi32>
      %shift_right_logical3A = arith.constant 19 : i32
      %shift_right_logical3A_46 = vector.broadcast %shift_right_logical3A : i32 to vector<4x64x1024xi32>
      %shift_right_logical3A_47 = arith.shrui %add3A_36, %shift_right_logical3A_46 : vector<4x64x1024xi32>
      %or3A = arith.ori %shift_left3A_45, %shift_right_logical3A_47 : vector<4x64x1024xi32>
      %xor3A_48 = arith.xori %add3A_42, %or3A : vector<4x64x1024xi32>
      %add3A_49 = arith.addi %add3A_42, %xor3A_48 : vector<4x64x1024xi32>
      %shift_left3A_50 = arith.constant 15 : i32
      %shift_left3A_51 = vector.broadcast %shift_left3A_50 : i32 to vector<4x64x1024xi32>
      %shift_left3A_52 = arith.shli %xor3A_48, %shift_left3A_51 : vector<4x64x1024xi32>
      %shift_right_logical3A_53 = arith.constant 17 : i32
      %shift_right_logical3A_54 = vector.broadcast %shift_right_logical3A_53 : i32 to vector<4x64x1024xi32>
      %shift_right_logical3A_55 = arith.shrui %xor3A_48, %shift_right_logical3A_54 : vector<4x64x1024xi32>
      %or3A_56 = arith.ori %shift_left3A_52, %shift_right_logical3A_55 : vector<4x64x1024xi32>
      %xor3A_57 = arith.xori %add3A_49, %or3A_56 : vector<4x64x1024xi32>
      %add3A_58 = arith.addi %add3A_49, %xor3A_57 : vector<4x64x1024xi32>
      %shift_left3A_59 = arith.constant 26 : i32
      %shift_left3A_60 = vector.broadcast %shift_left3A_59 : i32 to vector<4x64x1024xi32>
      %shift_left3A_61 = arith.shli %xor3A_57, %shift_left3A_60 : vector<4x64x1024xi32>
      %shift_right_logical3A_62 = arith.constant 6 : i32
      %shift_right_logical3A_63 = vector.broadcast %shift_right_logical3A_62 : i32 to vector<4x64x1024xi32>
      %shift_right_logical3A_64 = arith.shrui %xor3A_57, %shift_right_logical3A_63 : vector<4x64x1024xi32>
      %or3A_65 = arith.ori %shift_left3A_61, %shift_right_logical3A_64 : vector<4x64x1024xi32>
      %xor3A_66 = arith.xori %add3A_58, %or3A_65 : vector<4x64x1024xi32>
      %add3A_67 = arith.addi %add3A_58, %xor3A_66 : vector<4x64x1024xi32>
      %shift_left3A_68 = arith.constant 6 : i32
      %shift_left3A_69 = vector.broadcast %shift_left3A_68 : i32 to vector<4x64x1024xi32>
      %shift_left3A_70 = arith.shli %xor3A_66, %shift_left3A_69 : vector<4x64x1024xi32>
      %shift_right_logical3A_71 = arith.constant 26 : i32
      %shift_right_logical3A_72 = vector.broadcast %shift_right_logical3A_71 : i32 to vector<4x64x1024xi32>
      %shift_right_logical3A_73 = arith.shrui %xor3A_66, %shift_right_logical3A_72 : vector<4x64x1024xi32>
      %or3A_74 = arith.ori %shift_left3A_70, %shift_right_logical3A_73 : vector<4x64x1024xi32>
      %xor3A_75 = arith.xori %add3A_67, %or3A_74 : vector<4x64x1024xi32>
      %add3A_76 = vector.broadcast %get3A_7 : i32 to vector<4x64x1024xi32>
      %add3A_77 = arith.addi %add3A_67, %add3A_76 : vector<4x64x1024xi32>
      %add3A_78 = vector.broadcast %xor3A_38 : i32 to vector<4x64x1024xi32>
      %add3A_79 = arith.addi %xor3A_75, %add3A_78 : vector<4x64x1024xi32>
      %add3A_80 = arith.constant 1 : i32
      %add3A_81 = vector.broadcast %add3A_80 : i32 to vector<4x64x1024xi32>
      %add3A_82 = arith.addi %add3A_79, %add3A_81 : vector<4x64x1024xi32>
      %add3A_83 = arith.addi %add3A_77, %add3A_82 : vector<4x64x1024xi32>
      %shift_left3A_84 = arith.constant 17 : i32
      %shift_left3A_85 = vector.broadcast %shift_left3A_84 : i32 to vector<4x64x1024xi32>
      %shift_left3A_86 = arith.shli %add3A_82, %shift_left3A_85 : vector<4x64x1024xi32>
      %shift_right_logical3A_87 = arith.constant 15 : i32
      %shift_right_logical3A_88 = vector.broadcast %shift_right_logical3A_87 : i32 to vector<4x64x1024xi32>
      %shift_right_logical3A_89 = arith.shrui %add3A_82, %shift_right_logical3A_88 : vector<4x64x1024xi32>
      %or3A_90 = arith.ori %shift_left3A_86, %shift_right_logical3A_89 : vector<4x64x1024xi32>
      %xor3A_91 = arith.xori %add3A_83, %or3A_90 : vector<4x64x1024xi32>
      %add3A_92 = arith.addi %add3A_83, %xor3A_91 : vector<4x64x1024xi32>
      %shift_left3A_93 = arith.constant 29 : i32
      %shift_left3A_94 = vector.broadcast %shift_left3A_93 : i32 to vector<4x64x1024xi32>
      %shift_left3A_95 = arith.shli %xor3A_91, %shift_left3A_94 : vector<4x64x1024xi32>
      %shift_right_logical3A_96 = arith.constant 3 : i32
      %shift_right_logical3A_97 = vector.broadcast %shift_right_logical3A_96 : i32 to vector<4x64x1024xi32>
      %shift_right_logical3A_98 = arith.shrui %xor3A_91, %shift_right_logical3A_97 : vector<4x64x1024xi32>
      %or3A_99 = arith.ori %shift_left3A_95, %shift_right_logical3A_98 : vector<4x64x1024xi32>
      %xor3A_100 = arith.xori %add3A_92, %or3A_99 : vector<4x64x1024xi32>
      %add3A_101 = arith.addi %add3A_92, %xor3A_100 : vector<4x64x1024xi32>
      %shift_left3A_102 = arith.constant 16 : i32
      %shift_left3A_103 = vector.broadcast %shift_left3A_102 : i32 to vector<4x64x1024xi32>
      %shift_left3A_104 = arith.shli %xor3A_100, %shift_left3A_103 : vector<4x64x1024xi32>
      %shift_right_logical3A_105 = arith.constant 16 : i32
      %shift_right_logical3A_106 = vector.broadcast %shift_right_logical3A_105 : i32 to vector<4x64x1024xi32>
      %shift_right_logical3A_107 = arith.shrui %xor3A_100, %shift_right_logical3A_106 : vector<4x64x1024xi32>
      %or3A_108 = arith.ori %shift_left3A_104, %shift_right_logical3A_107 : vector<4x64x1024xi32>
      %xor3A_109 = arith.xori %add3A_101, %or3A_108 : vector<4x64x1024xi32>
      %add3A_110 = arith.addi %add3A_101, %xor3A_109 : vector<4x64x1024xi32>
      %shift_left3A_111 = arith.constant 24 : i32
      %shift_left3A_112 = vector.broadcast %shift_left3A_111 : i32 to vector<4x64x1024xi32>
      %shift_left3A_113 = arith.shli %xor3A_109, %shift_left3A_112 : vector<4x64x1024xi32>
      %shift_right_logical3A_114 = arith.constant 8 : i32
      %shift_right_logical3A_115 = vector.broadcast %shift_right_logical3A_114 : i32 to vector<4x64x1024xi32>
      %shift_right_logical3A_116 = arith.shrui %xor3A_109, %shift_right_logical3A_115 : vector<4x64x1024xi32>
      %or3A_117 = arith.ori %shift_left3A_113, %shift_right_logical3A_116 : vector<4x64x1024xi32>
      %xor3A_118 = arith.xori %add3A_110, %or3A_117 : vector<4x64x1024xi32>
      %add3A_119 = vector.broadcast %xor3A_38 : i32 to vector<4x64x1024xi32>
      %add3A_120 = arith.addi %add3A_110, %add3A_119 : vector<4x64x1024xi32>
      %add3A_121 = vector.broadcast %get3A_4 : i32 to vector<4x64x1024xi32>
      %add3A_122 = arith.addi %xor3A_118, %add3A_121 : vector<4x64x1024xi32>
      %add3A_123 = arith.constant 2 : i32
      %add3A_124 = vector.broadcast %add3A_123 : i32 to vector<4x64x1024xi32>
      %add3A_125 = arith.addi %add3A_122, %add3A_124 : vector<4x64x1024xi32>
      %add3A_126 = arith.addi %add3A_120, %add3A_125 : vector<4x64x1024xi32>
      %shift_left3A_127 = arith.constant 13 : i32
      %shift_left3A_128 = vector.broadcast %shift_left3A_127 : i32 to vector<4x64x1024xi32>
      %shift_left3A_129 = arith.shli %add3A_125, %shift_left3A_128 : vector<4x64x1024xi32>
      %shift_right_logical3A_130 = arith.constant 19 : i32
      %shift_right_logical3A_131 = vector.broadcast %shift_right_logical3A_130 : i32 to vector<4x64x1024xi32>
      %shift_right_logical3A_132 = arith.shrui %add3A_125, %shift_right_logical3A_131 : vector<4x64x1024xi32>
      %or3A_133 = arith.ori %shift_left3A_129, %shift_right_logical3A_132 : vector<4x64x1024xi32>
      %xor3A_134 = arith.xori %add3A_126, %or3A_133 : vector<4x64x1024xi32>
      %add3A_135 = arith.addi %add3A_126, %xor3A_134 : vector<4x64x1024xi32>
      %shift_left3A_136 = arith.constant 15 : i32
      %shift_left3A_137 = vector.broadcast %shift_left3A_136 : i32 to vector<4x64x1024xi32>
      %shift_left3A_138 = arith.shli %xor3A_134, %shift_left3A_137 : vector<4x64x1024xi32>
      %shift_right_logical3A_139 = arith.constant 17 : i32
      %shift_right_logical3A_140 = vector.broadcast %shift_right_logical3A_139 : i32 to vector<4x64x1024xi32>
      %shift_right_logical3A_141 = arith.shrui %xor3A_134, %shift_right_logical3A_140 : vector<4x64x1024xi32>
      %or3A_142 = arith.ori %shift_left3A_138, %shift_right_logical3A_141 : vector<4x64x1024xi32>
      %xor3A_143 = arith.xori %add3A_135, %or3A_142 : vector<4x64x1024xi32>
      %add3A_144 = arith.addi %add3A_135, %xor3A_143 : vector<4x64x1024xi32>
      %shift_left3A_145 = arith.constant 26 : i32
      %shift_left3A_146 = vector.broadcast %shift_left3A_145 : i32 to vector<4x64x1024xi32>
      %shift_left3A_147 = arith.shli %xor3A_143, %shift_left3A_146 : vector<4x64x1024xi32>
      %shift_right_logical3A_148 = arith.constant 6 : i32
      %shift_right_logical3A_149 = vector.broadcast %shift_right_logical3A_148 : i32 to vector<4x64x1024xi32>
      %shift_right_logical3A_150 = arith.shrui %xor3A_143, %shift_right_logical3A_149 : vector<4x64x1024xi32>
      %or3A_151 = arith.ori %shift_left3A_147, %shift_right_logical3A_150 : vector<4x64x1024xi32>
      %xor3A_152 = arith.xori %add3A_144, %or3A_151 : vector<4x64x1024xi32>
      %add3A_153 = arith.addi %add3A_144, %xor3A_152 : vector<4x64x1024xi32>
      %shift_left3A_154 = arith.constant 6 : i32
      %shift_left3A_155 = vector.broadcast %shift_left3A_154 : i32 to vector<4x64x1024xi32>
      %shift_left3A_156 = arith.shli %xor3A_152, %shift_left3A_155 : vector<4x64x1024xi32>
      %shift_right_logical3A_157 = arith.constant 26 : i32
      %shift_right_logical3A_158 = vector.broadcast %shift_right_logical3A_157 : i32 to vector<4x64x1024xi32>
      %shift_right_logical3A_159 = arith.shrui %xor3A_152, %shift_right_logical3A_158 : vector<4x64x1024xi32>
      %or3A_160 = arith.ori %shift_left3A_156, %shift_right_logical3A_159 : vector<4x64x1024xi32>
      %xor3A_161 = arith.xori %add3A_153, %or3A_160 : vector<4x64x1024xi32>
      %add3A_162 = vector.broadcast %get3A_4 : i32 to vector<4x64x1024xi32>
      %add3A_163 = arith.addi %add3A_153, %add3A_162 : vector<4x64x1024xi32>
      %add3A_164 = vector.broadcast %get3A_7 : i32 to vector<4x64x1024xi32>
      %add3A_165 = arith.addi %xor3A_161, %add3A_164 : vector<4x64x1024xi32>
      %add3A_166 = arith.constant 3 : i32
      %add3A_167 = vector.broadcast %add3A_166 : i32 to vector<4x64x1024xi32>
      %add3A_168 = arith.addi %add3A_165, %add3A_167 : vector<4x64x1024xi32>
      %add3A_169 = arith.addi %add3A_163, %add3A_168 : vector<4x64x1024xi32>
      %shift_left3A_170 = arith.constant 17 : i32
      %shift_left3A_171 = vector.broadcast %shift_left3A_170 : i32 to vector<4x64x1024xi32>
      %shift_left3A_172 = arith.shli %add3A_168, %shift_left3A_171 : vector<4x64x1024xi32>
      %shift_right_logical3A_173 = arith.constant 15 : i32
      %shift_right_logical3A_174 = vector.broadcast %shift_right_logical3A_173 : i32 to vector<4x64x1024xi32>
      %shift_right_logical3A_175 = arith.shrui %add3A_168, %shift_right_logical3A_174 : vector<4x64x1024xi32>
      %or3A_176 = arith.ori %shift_left3A_172, %shift_right_logical3A_175 : vector<4x64x1024xi32>
      %xor3A_177 = arith.xori %add3A_169, %or3A_176 : vector<4x64x1024xi32>
      %add3A_178 = arith.addi %add3A_169, %xor3A_177 : vector<4x64x1024xi32>
      %shift_left3A_179 = arith.constant 29 : i32
      %shift_left3A_180 = vector.broadcast %shift_left3A_179 : i32 to vector<4x64x1024xi32>
      %shift_left3A_181 = arith.shli %xor3A_177, %shift_left3A_180 : vector<4x64x1024xi32>
      %shift_right_logical3A_182 = arith.constant 3 : i32
      %shift_right_logical3A_183 = vector.broadcast %shift_right_logical3A_182 : i32 to vector<4x64x1024xi32>
      %shift_right_logical3A_184 = arith.shrui %xor3A_177, %shift_right_logical3A_183 : vector<4x64x1024xi32>
      %or3A_185 = arith.ori %shift_left3A_181, %shift_right_logical3A_184 : vector<4x64x1024xi32>
      %xor3A_186 = arith.xori %add3A_178, %or3A_185 : vector<4x64x1024xi32>
      %add3A_187 = arith.addi %add3A_178, %xor3A_186 : vector<4x64x1024xi32>
      %shift_left3A_188 = arith.constant 16 : i32
      %shift_left3A_189 = vector.broadcast %shift_left3A_188 : i32 to vector<4x64x1024xi32>
      %shift_left3A_190 = arith.shli %xor3A_186, %shift_left3A_189 : vector<4x64x1024xi32>
      %shift_right_logical3A_191 = arith.constant 16 : i32
      %shift_right_logical3A_192 = vector.broadcast %shift_right_logical3A_191 : i32 to vector<4x64x1024xi32>
      %shift_right_logical3A_193 = arith.shrui %xor3A_186, %shift_right_logical3A_192 : vector<4x64x1024xi32>
      %or3A_194 = arith.ori %shift_left3A_190, %shift_right_logical3A_193 : vector<4x64x1024xi32>
      %xor3A_195 = arith.xori %add3A_187, %or3A_194 : vector<4x64x1024xi32>
      %add3A_196 = arith.addi %add3A_187, %xor3A_195 : vector<4x64x1024xi32>
      %shift_left3A_197 = arith.constant 24 : i32
      %shift_left3A_198 = vector.broadcast %shift_left3A_197 : i32 to vector<4x64x1024xi32>
      %shift_left3A_199 = arith.shli %xor3A_195, %shift_left3A_198 : vector<4x64x1024xi32>
      %shift_right_logical3A_200 = arith.constant 8 : i32
      %shift_right_logical3A_201 = vector.broadcast %shift_right_logical3A_200 : i32 to vector<4x64x1024xi32>
      %shift_right_logical3A_202 = arith.shrui %xor3A_195, %shift_right_logical3A_201 : vector<4x64x1024xi32>
      %or3A_203 = arith.ori %shift_left3A_199, %shift_right_logical3A_202 : vector<4x64x1024xi32>
      %xor3A_204 = arith.xori %add3A_196, %or3A_203 : vector<4x64x1024xi32>
      %add3A_205 = vector.broadcast %get3A_7 : i32 to vector<4x64x1024xi32>
      %add3A_206 = arith.addi %add3A_196, %add3A_205 : vector<4x64x1024xi32>
      %add3A_207 = vector.broadcast %xor3A_38 : i32 to vector<4x64x1024xi32>
      %add3A_208 = arith.addi %xor3A_204, %add3A_207 : vector<4x64x1024xi32>
      %add3A_209 = arith.constant 4 : i32
      %add3A_210 = vector.broadcast %add3A_209 : i32 to vector<4x64x1024xi32>
      %add3A_211 = arith.addi %add3A_208, %add3A_210 : vector<4x64x1024xi32>
      %add3A_212 = arith.addi %add3A_206, %add3A_211 : vector<4x64x1024xi32>
      %shift_left3A_213 = arith.constant 13 : i32
      %shift_left3A_214 = vector.broadcast %shift_left3A_213 : i32 to vector<4x64x1024xi32>
      %shift_left3A_215 = arith.shli %add3A_211, %shift_left3A_214 : vector<4x64x1024xi32>
      %shift_right_logical3A_216 = arith.constant 19 : i32
      %shift_right_logical3A_217 = vector.broadcast %shift_right_logical3A_216 : i32 to vector<4x64x1024xi32>
      %shift_right_logical3A_218 = arith.shrui %add3A_211, %shift_right_logical3A_217 : vector<4x64x1024xi32>
      %or3A_219 = arith.ori %shift_left3A_215, %shift_right_logical3A_218 : vector<4x64x1024xi32>
      %xor3A_220 = arith.xori %add3A_212, %or3A_219 : vector<4x64x1024xi32>
      %add3A_221 = arith.addi %add3A_212, %xor3A_220 : vector<4x64x1024xi32>
      %shift_left3A_222 = arith.constant 15 : i32
      %shift_left3A_223 = vector.broadcast %shift_left3A_222 : i32 to vector<4x64x1024xi32>
      %shift_left3A_224 = arith.shli %xor3A_220, %shift_left3A_223 : vector<4x64x1024xi32>
      %shift_right_logical3A_225 = arith.constant 17 : i32
      %shift_right_logical3A_226 = vector.broadcast %shift_right_logical3A_225 : i32 to vector<4x64x1024xi32>
      %shift_right_logical3A_227 = arith.shrui %xor3A_220, %shift_right_logical3A_226 : vector<4x64x1024xi32>
      %or3A_228 = arith.ori %shift_left3A_224, %shift_right_logical3A_227 : vector<4x64x1024xi32>
      %xor3A_229 = arith.xori %add3A_221, %or3A_228 : vector<4x64x1024xi32>
      %add3A_230 = arith.addi %add3A_221, %xor3A_229 : vector<4x64x1024xi32>
      %shift_left3A_231 = arith.constant 26 : i32
      %shift_left3A_232 = vector.broadcast %shift_left3A_231 : i32 to vector<4x64x1024xi32>
      %shift_left3A_233 = arith.shli %xor3A_229, %shift_left3A_232 : vector<4x64x1024xi32>
      %shift_right_logical3A_234 = arith.constant 6 : i32
      %shift_right_logical3A_235 = vector.broadcast %shift_right_logical3A_234 : i32 to vector<4x64x1024xi32>
      %shift_right_logical3A_236 = arith.shrui %xor3A_229, %shift_right_logical3A_235 : vector<4x64x1024xi32>
      %or3A_237 = arith.ori %shift_left3A_233, %shift_right_logical3A_236 : vector<4x64x1024xi32>
      %xor3A_238 = arith.xori %add3A_230, %or3A_237 : vector<4x64x1024xi32>
      %add3A_239 = arith.addi %add3A_230, %xor3A_238 : vector<4x64x1024xi32>
      %shift_left3A_240 = arith.constant 6 : i32
      %shift_left3A_241 = vector.broadcast %shift_left3A_240 : i32 to vector<4x64x1024xi32>
      %shift_left3A_242 = arith.shli %xor3A_238, %shift_left3A_241 : vector<4x64x1024xi32>
      %shift_right_logical3A_243 = arith.constant 26 : i32
      %shift_right_logical3A_244 = vector.broadcast %shift_right_logical3A_243 : i32 to vector<4x64x1024xi32>
      %shift_right_logical3A_245 = arith.shrui %xor3A_238, %shift_right_logical3A_244 : vector<4x64x1024xi32>
      %or3A_246 = arith.ori %shift_left3A_242, %shift_right_logical3A_245 : vector<4x64x1024xi32>
      %xor3A_247 = arith.xori %add3A_239, %or3A_246 : vector<4x64x1024xi32>
      %add3A_248 = vector.broadcast %xor3A_38 : i32 to vector<4x64x1024xi32>
      %add3A_249 = arith.addi %add3A_239, %add3A_248 : vector<4x64x1024xi32>
      %add3A_250 = vector.broadcast %get3A_4 : i32 to vector<4x64x1024xi32>
      %add3A_251 = arith.addi %xor3A_247, %add3A_250 : vector<4x64x1024xi32>
      %add3A_252 = arith.constant 5 : i32
      %add3A_253 = vector.broadcast %add3A_252 : i32 to vector<4x64x1024xi32>
      %add3A_254 = arith.addi %add3A_251, %add3A_253 : vector<4x64x1024xi32>
      %xor3A_255 = arith.xori %add3A_249, %add3A_254 : vector<4x64x1024xi32>
      %shift_right_logical3A_256 = arith.constant 9 : i32
      %shift_right_logical3A_257 = vector.broadcast %shift_right_logical3A_256 : i32 to vector<4x64x1024xi32>
      %shift_right_logical3A_258 = arith.shrui %xor3A_255, %shift_right_logical3A_257 : vector<4x64x1024xi32>
      %or3A_259 = arith.constant 1065353216 : i32
      %or3A_260 = vector.broadcast %or3A_259 : i32 to vector<4x64x1024xi32>
      %or3A_261 = arith.ori %shift_right_logical3A_258, %or3A_260 : vector<4x64x1024xi32>
      %bitcast_convert_type3A = tpu.bitcast %or3A_261 : vector<4x64x1024xi32> -> vector<4x64x1024xf32>
      %sub3A = arith.constant 1.000000e+00 : f32
      %sub3A_262 = vector.broadcast %sub3A : f32 to vector<4x64x1024xf32>
      %sub3A_263 = arith.subf %bitcast_convert_type3A, %sub3A_262 : vector<4x64x1024xf32>
      %sub3A_264 = arith.constant 1.000000e+00 : f32
      %sub3A_265 = arith.constant 1.17549435E-38 : f32
      %sub3A_266 = arith.subf %sub3A_264, %sub3A_265 : f32
      %mul3A_267 = vector.broadcast %sub3A_266 : f32 to vector<4x64x1024xf32>
      %mul3A_268 = arith.mulf %sub3A_263, %mul3A_267 : vector<4x64x1024xf32>
      %add3A_269 = arith.constant 1.17549435E-38 : f32
      %add3A_270 = vector.broadcast %add3A_269 : f32 to vector<4x64x1024xf32>
      %add3A_271 = arith.addf %mul3A_268, %add3A_270 : vector<4x64x1024xf32>
      %log3A = math.log %add3A_271 : vector<4x64x1024xf32>
      %neg3A = arith.constant 0.000000e+00 : f32
      %neg3A_272 = vector.broadcast %neg3A : f32 to vector<4x64x1024xf32>
      %neg3A_273 = arith.subf %neg3A_272, %log3A : vector<4x64x1024xf32>
      %log3A_274 = math.log %neg3A_273 : vector<4x64x1024xf32>
      %neg3A_275 = arith.constant 0.000000e+00 : f32
      %neg3A_276 = vector.broadcast %neg3A_275 : f32 to vector<4x64x1024xf32>
      %neg3A_277 = arith.subf %neg3A_276, %log3A_274 : vector<4x64x1024xf32>
      %broadcast_in_dim3A_278 = vector.shape_cast %get3A_1 : vector<64x1024xf32> to vector<1x64x1024xf32>
      %add3A_279 = vector.broadcast %broadcast_in_dim3A_278 : vector<1x64x1024xf32> to vector<4x64x1024xf32>
      %add3A_280 = arith.addf %neg3A_277, %add3A_279 : vector<4x64x1024xf32>
      %reduce_max3A = arith.constant dense<0xFF800000> : vector<4x64xf32>
      %reduce_max3A_281 = vector.multi_reduction <maximumf>, %add3A_280, %reduce_max3A [2] : vector<4x64x1024xf32> to vector<4x64xf32>
      %broadcast_in_dim3A_282 = vector.shape_cast %reduce_max3A_281 : vector<4x64xf32> to vector<4x64x1xf32>
      %eq3A = vector.broadcast %broadcast_in_dim3A_282 : vector<4x64x1xf32> to vector<4x64x1024xf32>
      %eq3A_283 = arith.cmpf oeq, %add3A_280, %eq3A : vector<4x64x1024xf32>
      %jit3A = arith.constant 1024 : i32
      %broadcast_in_dim3A_284 = vector.broadcast %jit3A : i32 to vector<4x64x1024xi32>
      %select_n3A = arith.select %eq3A_283, %iota3A_13, %broadcast_in_dim3A_284 : vector<4x64x1024xi1>, vector<4x64x1024xi32>
      %reduce_min3A = arith.constant dense<2147483647> : vector<4x64xi32>
      %reduce_min3A_285 = vector.multi_reduction <minsi>, %select_n3A, %reduce_min3A [2] : vector<4x64x1024xi32> to vector<4x64xi32>
      %mul3A_286 = arith.constant 4 : i32
      %mul3A_287 = arith.muli %scan3A_27, %mul3A_286 : i32
      %swap3A = arith.index_cast %mul3A_287 : i32 to index
      %swap3A_288 = arith.constant 0 : index
      %swap3A_289 = vector.load %arg4[%swap3A, %swap3A_288] : memref<128x64xi32, #tpu.memory_space<vmem>>, vector<4x64xi32>
      tpu.vector_store %arg4[%swap3A, %swap3A_288], %reduce_min3A_285 {strides = array<i32>} : memref<128x64xi32, #tpu.memory_space<vmem>>, vector<4x64xi32>,
    }
    %scan3A_26 = arith.constant 32 : i32
    return
  }
  func.func @transform_0(%arg0: i32) -> (i32, i32) {
    %c0_i32 = arith.constant 0 : i32
    %c0_i32_0 = arith.constant 0 : i32
    %c0_i32_1 = arith.constant 0 : i32
    return %c0_i32, %c0_i32_0 : i32, i32
  }
  func.func @transform_1(%arg0: i32) -> (i32, i32) {
    %c0_i32 = arith.constant 0 : i32
    %c0_i32_0 = arith.constant 0 : i32
    %c0_i32_1 = arith.constant 0 : i32
    return %c0_i32, %c0_i32_0 : i32, i32
  }
  func.func @transform_2(%arg0: i32) -> (i32, i32) {
    %c0_i32 = arith.constant 0 : i32
    %c0_i32_0 = arith.constant 0 : i32
    %c0_i32_1 = arith.constant 0 : i32
    return %c0_i32, %c0_i32_0 : i32, i32
  }
  func.func @transform_3(%arg0: i32) -> (i32, i32) {
    %c0_i32 = arith.constant 0 : i32
    %c0_i32_0 = arith.constant 0 : i32
    return %arg0, %c0_i32 : i32, i32
  }
}

module attributes {stable_mosaic.version = 14 : i64} {
  func.func @_step_kernel(%arg0: i32, %arg1: memref<2048x64xf32, #tpu.memory_space<vmem>>, %arg2: memref<2048x128xf32, #tpu.memory_space<vmem>>, %arg3: memref<64x128xf32, #tpu.memory_space<vmem>>, %arg4: memref<32x128xf32, #tpu.memory_space<vmem>>, %arg5: memref<1x128xf32, #tpu.memory_space<vmem>>, %arg6: memref<32x128xf32, #tpu.memory_space<vmem>>, %arg7: memref<32x128xf32, #tpu.memory_space<vmem>>, %arg8: memref<1x128xf32, #tpu.memory_space<vmem>>, %arg9: memref<64x64xf32, #tpu.memory_space<vmem>>, %arg10: memref<1x64xf32, #tpu.memory_space<vmem>>, %arg11: memref<64x1xf32, #tpu.memory_space<vmem>>, %arg12: memref<1x1xf32, #tpu.memory_space<vmem>>, %arg13: memref<2048x128xf32, #tpu.memory_space<vmem>>, %arg14: memref<2048x1xf32, #tpu.memory_space<vmem>>) attributes {dimension_semantics = [#tpu.dimension_semantics<arbitrary>], iteration_bounds = array<i64: 32>, scalar_prefetch = 0 : i64, scratch_operands = 0 : i64, tpu.core_type = #tpu.core_type<tc>, window_params = [{transform_indices = @transform_0, window_bounds = array<i64: 2048, 64>}, {transform_indices = @transform_1, window_bounds = array<i64: 2048, 128>}, {pipeline_mode = #tpu.pipeline_mode<synchronous>, transform_indices = @transform_2, window_bounds = array<i64: 64, 128>}, {pipeline_mode = #tpu.pipeline_mode<synchronous>, transform_indices = @transform_3, window_bounds = array<i64: 32, 128>}, {pipeline_mode = #tpu.pipeline_mode<synchronous>, transform_indices = @transform_4, window_bounds = array<i64: 1, 128>}, {pipeline_mode = #tpu.pipeline_mode<synchronous>, transform_indices = @transform_5, window_bounds = array<i64: 32, 128>}, {pipeline_mode = #tpu.pipeline_mode<synchronous>, transform_indices = @transform_6, window_bounds = array<i64: 32, 128>}, {pipeline_mode = #tpu.pipeline_mode<synchronous>, transform_indices = @transform_7, window_bounds = array<i64: 1, 128>}, {pipeline_mode = #tpu.pipeline_mode<synchronous>, transform_indices = @transform_8, window_bounds = array<i64: 64, 64>}, {pipeline_mode = #tpu.pipeline_mode<synchronous>, transform_indices = @transform_9, window_bounds = array<i64: 1, 64>}, {pipeline_mode = #tpu.pipeline_mode<synchronous>, transform_indices = @transform_10, window_bounds = array<i64: 64, 1>}, {pipeline_mode = #tpu.pipeline_mode<synchronous>, transform_indices = @transform_11, window_bounds = array<i64: 1, 1>}, {transform_indices = @transform_12, window_bounds = array<i64: 2048, 128>}, {transform_indices = @transform_13, window_bounds = array<i64: 2048, 1>}]} {
    %get3A = arith.constant 0 : index
    %get3A_0 = arith.constant 0 : index
    %get3A_1 = vector.load %arg1[%get3A, %get3A_0] : memref<2048x64xf32, #tpu.memory_space<vmem>>, vector<2048x64xf32>
    %get3A_2 = arith.constant 0 : index
    %get3A_3 = arith.constant 0 : index
    %get3A_4 = vector.load %arg2[%get3A_2, %get3A_3] : memref<2048x128xf32, #tpu.memory_space<vmem>>, vector<2048x128xf32>
    %slice3A = vector.extract_strided_slice %get3A_4 {offsets = [0, 0], sizes = [2048, 32], strides = [1, 1]} : vector<2048x128xf32> to vector<2048x32xf32>
    %slice3A_5 = vector.extract_strided_slice %get3A_4 {offsets = [0, 32], sizes = [2048, 32], strides = [1, 1]} : vector<2048x128xf32> to vector<2048x32xf32>
    %get3A_6 = arith.constant 0 : index
    %get3A_7 = arith.constant 0 : index
    %get3A_8 = vector.load %arg3[%get3A_6, %get3A_7] : memref<64x128xf32, #tpu.memory_space<vmem>>, vector<64x128xf32>
    %get3A_9 = arith.constant 0 : index
    %get3A_10 = arith.constant 0 : index
    %get3A_11 = vector.load %arg4[%get3A_9, %get3A_10] : memref<32x128xf32, #tpu.memory_space<vmem>>, vector<32x128xf32>
    %get3A_12 = arith.constant 0 : index
    %get3A_13 = arith.constant 0 : index
    %get3A_14 = vector.load %arg5[%get3A_12, %get3A_13] : memref<1x128xf32, #tpu.memory_space<vmem>>, vector<1x128xf32>
    %squeeze3A = vector.shape_cast %get3A_14 : vector<1x128xf32> to vector<128xf32>
    %convert_element_type3A = arith.truncf %get3A_1 : vector<2048x64xf32> to vector<2048x64xbf16>
    %convert_element_type3A_15 = arith.truncf %get3A_8 : vector<64x128xf32> to vector<64x128xbf16>
    %dot_general3A = arith.constant dense<0.000000e+00> : vector<2048x128xf32>
    %dot_general3A_16 = tpu.matmul %convert_element_type3A, %convert_element_type3A_15, %dot_general3A {dimension_numbers = #tpu.dot_dimension_numbers<[1], [0], [0], [1], [0, 0, 1, 1], [], []>, transpose_lhs_hint = false} : vector<2048x64xbf16>, vector<64x128xbf16>, vector<2048x128xf32> -> vector<2048x128xf32>
    %convert_element_type3A_17 = arith.truncf %slice3A : vector<2048x32xf32> to vector<2048x32xbf16>
    %convert_element_type3A_18 = arith.truncf %get3A_11 : vector<32x128xf32> to vector<32x128xbf16>
    %dot_general3A_19 = arith.constant dense<0.000000e+00> : vector<2048x128xf32>
    %dot_general3A_20 = tpu.matmul %convert_element_type3A_17, %convert_element_type3A_18, %dot_general3A_19 {dimension_numbers = #tpu.dot_dimension_numbers<[1], [0], [0], [1], [0, 0, 1, 1], [], []>, transpose_lhs_hint = false} : vector<2048x32xbf16>, vector<32x128xbf16>, vector<2048x128xf32> -> vector<2048x128xf32>
    %add3A = arith.addf %dot_general3A_16, %dot_general3A_20 : vector<2048x128xf32>
    %broadcast_in_dim3A = vector.shape_cast %squeeze3A : vector<128xf32> to vector<1x128xf32>
    %add3A_21 = vector.broadcast %broadcast_in_dim3A : vector<1x128xf32> to vector<2048x128xf32>
    %add3A_22 = arith.addf %add3A, %add3A_21 : vector<2048x128xf32>
    %slice3A_23 = vector.extract_strided_slice %add3A_22 {offsets = [0, 0], sizes = [2048, 32], strides = [1, 1]} : vector<2048x128xf32> to vector<2048x32xf32>
    %logistic3A = arith.negf %slice3A_23 : vector<2048x32xf32>
    %logistic3A_24 = math.exp %logistic3A : vector<2048x32xf32>
    %logistic3A_25 = arith.constant 1.000000e+00 : f32
    %logistic3A_26 = vector.broadcast %logistic3A_25 : f32 to vector<2048x32xf32>
    %logistic3A_27 = arith.addf %logistic3A_26, %logistic3A_24 : vector<2048x32xf32>
    %logistic3A_28 = arith.divf %logistic3A_26, %logistic3A_27 : vector<2048x32xf32>
    %slice3A_29 = vector.extract_strided_slice %add3A_22 {offsets = [0, 32], sizes = [2048, 32], strides = [1, 1]} : vector<2048x128xf32> to vector<2048x32xf32>
    %logistic3A_30 = arith.negf %slice3A_29 : vector<2048x32xf32>
    %logistic3A_31 = math.exp %logistic3A_30 : vector<2048x32xf32>
    %logistic3A_32 = arith.constant 1.000000e+00 : f32
    %logistic3A_33 = vector.broadcast %logistic3A_32 : f32 to vector<2048x32xf32>
    %logistic3A_34 = arith.addf %logistic3A_33, %logistic3A_31 : vector<2048x32xf32>
    %logistic3A_35 = arith.divf %logistic3A_33, %logistic3A_34 : vector<2048x32xf32>
    %slice3A_36 = vector.extract_strided_slice %add3A_22 {offsets = [0, 64], sizes = [2048, 32], strides = [1, 1]} : vector<2048x128xf32> to vector<2048x32xf32>
    %tanh3A = math.tanh %slice3A_36 : vector<2048x32xf32>
    %slice3A_37 = vector.extract_strided_slice %add3A_22 {offsets = [0, 96], sizes = [2048, 32], strides = [1, 1]} : vector<2048x128xf32> to vector<2048x32xf32>
    %logistic3A_38 = arith.negf %slice3A_37 : vector<2048x32xf32>
    %logistic3A_39 = math.exp %logistic3A_38 : vector<2048x32xf32>
    %logistic3A_40 = arith.constant 1.000000e+00 : f32
    %logistic3A_41 = vector.broadcast %logistic3A_40 : f32 to vector<2048x32xf32>
    %logistic3A_42 = arith.addf %logistic3A_41, %logistic3A_39 : vector<2048x32xf32>
    %logistic3A_43 = arith.divf %logistic3A_41, %logistic3A_42 : vector<2048x32xf32>
    %mul3A = arith.mulf %logistic3A_35, %slice3A_5 : vector<2048x32xf32>
    %mul3A_44 = arith.mulf %logistic3A_28, %tanh3A : vector<2048x32xf32>
    %add3A_45 = arith.addf %mul3A, %mul3A_44 : vector<2048x32xf32>
    %tanh3A_46 = math.tanh %add3A_45 : vector<2048x32xf32>
    %mul3A_47 = arith.mulf %logistic3A_43, %tanh3A_46 : vector<2048x32xf32>
    %slice3A_48 = vector.extract_strided_slice %get3A_4 {offsets = [0, 64], sizes = [2048, 32], strides = [1, 1]} : vector<2048x128xf32> to vector<2048x32xf32>
    %slice3A_49 = vector.extract_strided_slice %get3A_4 {offsets = [0, 96], sizes = [2048, 32], strides = [1, 1]} : vector<2048x128xf32> to vector<2048x32xf32>
    %get3A_50 = arith.constant 0 : index
    %get3A_51 = arith.constant 0 : index
    %get3A_52 = vector.load %arg6[%get3A_50, %get3A_51] : memref<32x128xf32, #tpu.memory_space<vmem>>, vector<32x128xf32>
    %get3A_53 = arith.constant 0 : index
    %get3A_54 = arith.constant 0 : index
    %get3A_55 = vector.load %arg7[%get3A_53, %get3A_54] : memref<32x128xf32, #tpu.memory_space<vmem>>, vector<32x128xf32>
    %get3A_56 = arith.constant 0 : index
    %get3A_57 = arith.constant 0 : index
    %get3A_58 = vector.load %arg8[%get3A_56, %get3A_57] : memref<1x128xf32, #tpu.memory_space<vmem>>, vector<1x128xf32>
    %squeeze3A_59 = vector.shape_cast %get3A_58 : vector<1x128xf32> to vector<128xf32>
    %convert_element_type3A_60 = arith.truncf %mul3A_47 : vector<2048x32xf32> to vector<2048x32xbf16>
    %convert_element_type3A_61 = arith.truncf %get3A_52 : vector<32x128xf32> to vector<32x128xbf16>
    %dot_general3A_62 = arith.constant dense<0.000000e+00> : vector<2048x128xf32>
    %dot_general3A_63 = tpu.matmul %convert_element_type3A_60, %convert_element_type3A_61, %dot_general3A_62 {dimension_numbers = #tpu.dot_dimension_numbers<[1], [0], [0], [1], [0, 0, 1, 1], [], []>, transpose_lhs_hint = false} : vector<2048x32xbf16>, vector<32x128xbf16>, vector<2048x128xf32> -> vector<2048x128xf32>
    %convert_element_type3A_64 = arith.truncf %slice3A_48 : vector<2048x32xf32> to vector<2048x32xbf16>
    %convert_element_type3A_65 = arith.truncf %get3A_55 : vector<32x128xf32> to vector<32x128xbf16>
    %dot_general3A_66 = arith.constant dense<0.000000e+00> : vector<2048x128xf32>
    %dot_general3A_67 = tpu.matmul %convert_element_type3A_64, %convert_element_type3A_65, %dot_general3A_66 {dimension_numbers = #tpu.dot_dimension_numbers<[1], [0], [0], [1], [0, 0, 1, 1], [], []>, transpose_lhs_hint = false} : vector<2048x32xbf16>, vector<32x128xbf16>, vector<2048x128xf32> -> vector<2048x128xf32>
    %add3A_68 = arith.addf %dot_general3A_63, %dot_general3A_67 : vector<2048x128xf32>
    %broadcast_in_dim3A_69 = vector.shape_cast %squeeze3A_59 : vector<128xf32> to vector<1x128xf32>
    %add3A_70 = vector.broadcast %broadcast_in_dim3A_69 : vector<1x128xf32> to vector<2048x128xf32>
    %add3A_71 = arith.addf %add3A_68, %add3A_70 : vector<2048x128xf32>
    %slice3A_72 = vector.extract_strided_slice %add3A_71 {offsets = [0, 0], sizes = [2048, 32], strides = [1, 1]} : vector<2048x128xf32> to vector<2048x32xf32>
    %logistic3A_73 = arith.negf %slice3A_72 : vector<2048x32xf32>
    %logistic3A_74 = math.exp %logistic3A_73 : vector<2048x32xf32>
    %logistic3A_75 = arith.constant 1.000000e+00 : f32
    %logistic3A_76 = vector.broadcast %logistic3A_75 : f32 to vector<2048x32xf32>
    %logistic3A_77 = arith.addf %logistic3A_76, %logistic3A_74 : vector<2048x32xf32>
    %logistic3A_78 = arith.divf %logistic3A_76, %logistic3A_77 : vector<2048x32xf32>
    %slice3A_79 = vector.extract_strided_slice %add3A_71 {offsets = [0, 32], sizes = [2048, 32], strides = [1, 1]} : vector<2048x128xf32> to vector<2048x32xf32>
    %logistic3A_80 = arith.negf %slice3A_79 : vector<2048x32xf32>
    %logistic3A_81 = math.exp %logistic3A_80 : vector<2048x32xf32>
    %logistic3A_82 = arith.constant 1.000000e+00 : f32
    %logistic3A_83 = vector.broadcast %logistic3A_82 : f32 to vector<2048x32xf32>
    %logistic3A_84 = arith.addf %logistic3A_83, %logistic3A_81 : vector<2048x32xf32>
    %logistic3A_85 = arith.divf %logistic3A_83, %logistic3A_84 : vector<2048x32xf32>
    %slice3A_86 = vector.extract_strided_slice %add3A_71 {offsets = [0, 64], sizes = [2048, 32], strides = [1, 1]} : vector<2048x128xf32> to vector<2048x32xf32>
    %tanh3A_87 = math.tanh %slice3A_86 : vector<2048x32xf32>
    %slice3A_88 = vector.extract_strided_slice %add3A_71 {offsets = [0, 96], sizes = [2048, 32], strides = [1, 1]} : vector<2048x128xf32> to vector<2048x32xf32>
    %logistic3A_89 = arith.negf %slice3A_88 : vector<2048x32xf32>
    %logistic3A_90 = math.exp %logistic3A_89 : vector<2048x32xf32>
    %logistic3A_91 = arith.constant 1.000000e+00 : f32
    %logistic3A_92 = vector.broadcast %logistic3A_91 : f32 to vector<2048x32xf32>
    %logistic3A_93 = arith.addf %logistic3A_92, %logistic3A_90 : vector<2048x32xf32>
    %logistic3A_94 = arith.divf %logistic3A_92, %logistic3A_93 : vector<2048x32xf32>
    %mul3A_95 = arith.mulf %logistic3A_85, %slice3A_49 : vector<2048x32xf32>
    %mul3A_96 = arith.mulf %logistic3A_78, %tanh3A_87 : vector<2048x32xf32>
    %add3A_97 = arith.addf %mul3A_95, %mul3A_96 : vector<2048x32xf32>
    %tanh3A_98 = math.tanh %add3A_97 : vector<2048x32xf32>
    %mul3A_99 = arith.mulf %logistic3A_94, %tanh3A_98 : vector<2048x32xf32>
    %concatenate3A = tpu.concatenate %mul3A_47, %add3A_45, %mul3A_99, %add3A_97 in 1 : vector<2048x32xf32>, vector<2048x32xf32>, vector<2048x32xf32>, vector<2048x32xf32> -> vector<2048x128xf32>
    %swap3A = arith.constant 0 : index
    %swap3A_100 = arith.constant 0 : index
    %swap3A_101 = vector.load %arg13[%swap3A, %swap3A_100] : memref<2048x128xf32, #tpu.memory_space<vmem>>, vector<2048x128xf32>
    tpu.vector_store %arg13[%swap3A, %swap3A_100], %concatenate3A {strides = array<i32>} : memref<2048x128xf32, #tpu.memory_space<vmem>>, vector<2048x128xf32>,
    %slice3A_102 = vector.extract_strided_slice %get3A_1 {offsets = [0, 32], sizes = [2048, 32], strides = [1, 1]} : vector<2048x64xf32> to vector<2048x32xf32>
    %concatenate3A_103 = tpu.concatenate %slice3A_102, %mul3A_99 in 1 : vector<2048x32xf32>, vector<2048x32xf32> -> vector<2048x64xf32>
    %convert_element_type3A_104 = arith.truncf %concatenate3A_103 : vector<2048x64xf32> to vector<2048x64xbf16>
    %get3A_105 = arith.constant 0 : index
    %get3A_106 = arith.constant 0 : index
    %get3A_107 = vector.load %arg9[%get3A_105, %get3A_106] : memref<64x64xf32, #tpu.memory_space<vmem>>, vector<64x64xf32>
    %convert_element_type3A_108 = arith.truncf %get3A_107 : vector<64x64xf32> to vector<64x64xbf16>
    %dot_general3A_109 = arith.constant dense<0.000000e+00> : vector<2048x64xf32>
    %dot_general3A_110 = tpu.matmul %convert_element_type3A_104, %convert_element_type3A_108, %dot_general3A_109 {dimension_numbers = #tpu.dot_dimension_numbers<[1], [0], [0], [1], [0, 0, 1, 1], [], []>, transpose_lhs_hint = false} : vector<2048x64xbf16>, vector<64x64xbf16>, vector<2048x64xf32> -> vector<2048x64xf32>
    %get3A_111 = arith.constant 0 : index
    %get3A_112 = arith.constant 0 : index
    %get3A_113 = vector.load %arg10[%get3A_111, %get3A_112] : memref<1x64xf32, #tpu.memory_space<vmem>>, vector<1x64xf32>
    %squeeze3A_114 = vector.shape_cast %get3A_113 : vector<1x64xf32> to vector<64xf32>
    %broadcast_in_dim3A_115 = vector.shape_cast %squeeze3A_114 : vector<64xf32> to vector<1x64xf32>
    %add3A_116 = vector.broadcast %broadcast_in_dim3A_115 : vector<1x64xf32> to vector<2048x64xf32>
    %add3A_117 = arith.addf %dot_general3A_110, %add3A_116 : vector<2048x64xf32>
    %max3A = arith.constant 0.000000e+00 : f32
    %max3A_118 = vector.broadcast %max3A : f32 to vector<2048x64xf32>
    %max3A_119 = arith.maximumf %add3A_117, %max3A_118 : vector<2048x64xf32>
    %convert_element_type3A_120 = arith.truncf %max3A_119 : vector<2048x64xf32> to vector<2048x64xbf16>
    %get3A_121 = arith.constant 0 : index
    %get3A_122 = arith.constant 0 : index
    %get3A_123 = vector.load %arg11[%get3A_121, %get3A_122] : memref<64x1xf32, #tpu.memory_space<vmem>>, vector<64x1xf32>
    %convert_element_type3A_124 = arith.truncf %get3A_123 : vector<64x1xf32> to vector<64x1xbf16>
    %dot_general3A_125 = arith.constant dense<0.000000e+00> : vector<2048x1xf32>
    %dot_general3A_126 = tpu.matmul %convert_element_type3A_120, %convert_element_type3A_124, %dot_general3A_125 {dimension_numbers = #tpu.dot_dimension_numbers<[1], [0], [0], [1], [0, 0, 1, 1], [], []>, transpose_lhs_hint = false} : vector<2048x64xbf16>, vector<64x1xbf16>, vector<2048x1xf32> -> vector<2048x1xf32>
    %get3A_127 = arith.constant 0 : index
    %get3A_128 = arith.constant 0 : index
    %get3A_129 = vector.load %arg12[%get3A_127, %get3A_128] : memref<1x1xf32, #tpu.memory_space<vmem>>, vector<1x1xf32>
    %squeeze3A_130 = vector.extract %get3A_129[0, 0] : f32 from vector<1x1xf32>
    %add3A_131 = vector.broadcast %squeeze3A_130 : f32 to vector<2048x1xf32>
    %add3A_132 = arith.addf %dot_general3A_126, %add3A_131 : vector<2048x1xf32>
    %swap3A_133 = arith.constant 0 : index
    %swap3A_134 = arith.constant 0 : index
    %swap3A_135 = vector.load %arg14[%swap3A_133, %swap3A_134] : memref<2048x1xf32, #tpu.memory_space<vmem>>, vector<2048x1xf32>
    tpu.vector_store %arg14[%swap3A_133, %swap3A_134], %add3A_132 {strides = array<i32>} : memref<2048x1xf32, #tpu.memory_space<vmem>>, vector<2048x1xf32>,
    return
  }
  func.func @transform_0(%arg0: i32) -> (i32, i32) {
    %c0_i32 = arith.constant 0 : i32
    %c0_i32_0 = arith.constant 0 : i32
    return %arg0, %c0_i32 : i32, i32
  }
  func.func @transform_1(%arg0: i32) -> (i32, i32) {
    %c0_i32 = arith.constant 0 : i32
    %c0_i32_0 = arith.constant 0 : i32
    return %arg0, %c0_i32 : i32, i32
  }
  func.func @transform_2(%arg0: i32) -> (i32, i32) {
    %c0_i32 = arith.constant 0 : i32
    %c0_i32_0 = arith.constant 0 : i32
    %c0_i32_1 = arith.constant 0 : i32
    return %c0_i32, %c0_i32_0 : i32, i32
  }
  func.func @transform_3(%arg0: i32) -> (i32, i32) {
    %c0_i32 = arith.constant 0 : i32
    %c0_i32_0 = arith.constant 0 : i32
    %c0_i32_1 = arith.constant 0 : i32
    return %c0_i32, %c0_i32_0 : i32, i32
  }
  func.func @transform_4(%arg0: i32) -> (i32, i32) {
    %c0_i32 = arith.constant 0 : i32
    %c0_i32_0 = arith.constant 0 : i32
    %c0_i32_1 = arith.constant 0 : i32
    return %c0_i32, %c0_i32_0 : i32, i32
  }
  func.func @transform_5(%arg0: i32) -> (i32, i32) {
    %c0_i32 = arith.constant 0 : i32
    %c0_i32_0 = arith.constant 0 : i32
    %c0_i32_1 = arith.constant 0 : i32
    return %c0_i32, %c0_i32_0 : i32, i32
  }
  func.func @transform_6(%arg0: i32) -> (i32, i32) {
    %c0_i32 = arith.constant 0 : i32
    %c0_i32_0 = arith.constant 0 : i32
    %c0_i32_1 = arith.constant 0 : i32
    return %c0_i32, %c0_i32_0 : i32, i32
  }
  func.func @transform_7(%arg0: i32) -> (i32, i32) {
    %c0_i32 = arith.constant 0 : i32
    %c0_i32_0 = arith.constant 0 : i32
    %c0_i32_1 = arith.constant 0 : i32
    return %c0_i32, %c0_i32_0 : i32, i32
  }
  func.func @transform_8(%arg0: i32) -> (i32, i32) {
    %c0_i32 = arith.constant 0 : i32
    %c0_i32_0 = arith.constant 0 : i32
    %c0_i32_1 = arith.constant 0 : i32
    return %c0_i32, %c0_i32_0 : i32, i32
  }
  func.func @transform_9(%arg0: i32) -> (i32, i32) {
    %c0_i32 = arith.constant 0 : i32
    %c0_i32_0 = arith.constant 0 : i32
    %c0_i32_1 = arith.constant 0 : i32
    return %c0_i32, %c0_i32_0 : i32, i32
  }
  func.func @transform_10(%arg0: i32) -> (i32, i32) {
    %c0_i32 = arith.constant 0 : i32
    %c0_i32_0 = arith.constant 0 : i32
    %c0_i32_1 = arith.constant 0 : i32
    return %c0_i32, %c0_i32_0 : i32, i32
  }
  func.func @transform_11(%arg0: i32) -> (i32, i32) {
    %c0_i32 = arith.constant 0 : i32
    %c0_i32_0 = arith.constant 0 : i32
    %c0_i32_1 = arith.constant 0 : i32
    return %c0_i32, %c0_i32_0 : i32, i32
  }
  func.func @transform_12(%arg0: i32) -> (i32, i32) {
    %c0_i32 = arith.constant 0 : i32
    %c0_i32_0 = arith.constant 0 : i32
    return %arg0, %c0_i32 : i32, i32
  }
  func.func @transform_13(%arg0: i32) -> (i32, i32) {
    %c0_i32 = arith.constant 0 : i32
    %c0_i32_0 = arith.constant 0 : i32
    return %arg0, %c0_i32 : i32, i32
  }
}

</mosaic_0001>

<sc_bundles>
// kernel: gather_offload_async_start
scs
__scs_entry_jumppad:
0x0: {  	(pc) =	sbr.rel $0x88, $3  }
0x1: {  	(tag) =	ssettag $0x0;
	lr =	simm.s32 $0x1  }
0x2: {  	[smem:$0x3F96] =	sst lr;
	_ =	strace $0xD0000000  }
0x3: {  	_ = 	snop  }
0x4: {  	_ = 	snop  }
0x5: {  	_ = 	snop  }
0x6: {  	_ = 	snop  }
0x7: {  	_ = 	snop  }
__scs_overlays_trampoline_lowered:
0x8: {  	[smem:$0x3FA5] =	sst s0  }
0x9: {  	[smem:$0x3FA6] =	sst s1  }
0xa: {  	[smem:$0x3FA7] =	sst s2  }
0xb: {  	[smem:$0x3FA8] =	sst s3  }
0xc: {  	[smem:$0x3FA9] =	sst s4  }
0xd: {  	[smem:$0x3FAA] =	sst s5  }
0xe: {  	[smem:$0x3FAB] =	sst s6  }
0xf: {  	[smem:$0x3FAC] =	sst s7  }
0x10: {  	[smem:$0x3FAD] =	sst s8  }
0x11: {  	[smem:$0x3FAE] =	sst s9;
	s0 =	simm.s32 @!p0 $0x0  }
0x12: {  	s1 =	sld [smem:$0x3F94];
	s0 =	simm.s32 @p0 $0x1  }
0x13: {  	[smem:$0x3FAF] =	sst s0;
	s0 =	simm.s32 @!p1 $0x0  }
0x14: {  	s2 =	sld [smem:$0x3F93];
	s0 =	simm.s32 @p1 $0x1  }
0x15: {  	[smem:$0x3FB0] =	sst s0;
	s0 =	simm.s32 @!p2 $0x0  }
0x16: {  	s3 =	sld [smem:$0x3FDB];
	s0 =	simm.s32 @p2 $0x1  }
0x17: {  	s4 =	simm.s32 $0x1BF5;
	[smem:$0x3FB2] =	sst s0  }
0x18: {  	s0 =	sld [smem:$0x3F95];
	_ =	swait.ge [sflag:s4], $0x0  }
0x19: {  	s7 =	sld [smem:$0x3F96]  }
0x1a: {  	s8 =	sadd.s32 $0xFFFFE003, lr  }
0x1b: {  	s9 =	sadd.s32 $0xFFFFFEF7, lr;
	s5 =	simm.s32 $0xFFFFFFFF;
	p2 =	slt.u32 s8, $0xFFFFF086  }
0x1c: {  	p1 =	slt.u32 s9, $0xF7A;
	s5 =	simm.s32 @!p2 $0x0  }
0x1d: {  	s5 =	simm.s32 @p1 $0x1;
	p0 =	seq.s32 s7, s2  }
0x1e: {  	s7 =	smul.u32 @!p0 $0xF7A, s2;
	p2 =	seq.s32 @!p0 s5, $0x0  }
0x1f: {  	s9 =	smul.u32 $0xF7A, s1;
	s8 =	simm.s32 @!p0 $0x1BF5;
	p2 =	por !p2, p0  }
0x20: {  	[sflag:s8] =	ssyncset.s32 @!p0 $0xFFFFF086;
	s6 =	sadd.s32 @!p0 s3, s7;
	s7 =	simm.s32 @!p0 $0x108  }
0x21: {  	s3 =	sadd.s32 s3, s9;
	s6 =	sadd.s32 @!p0 $0x88, s6;
	s7 =	simm.s32 @p2 $0x1082  }
0x22: {  	[simem:s7], [sflag:s8] =	dma.local @!p0 [hbm:s6], $0xF7A  }
0x23: {  	s9 =	sor.u32 $0xD0000000, s2;
	s6 =	simm.s32 $0x108;
	_ =	swait.ge @!p0 [sflag:s8], $0x0  }
0x24: {  	s3 =	sadd.s32 $0x88, s3;
	s6 =	simm.s32 @!p1 $0x1082;
	[sflag:s4] =	ssyncset.s32 $0xFFFFF086  }
0x25: {  	[simem:s6], [sflag:s4] =	dma.local [hbm:s3], $0xF7A  }
0x26: {  	[smem:$0x3F96] =	sst s1;
	(tag) =	ssettag s2;
	_ =	strace s9  }
0x27: {  	s1 =	sld [smem:$0x3FA6]  }
0x28: {  	s2 =	sld [smem:$0x3FA7]  }
0x29: {  	s4 =	sld [smem:$0x3FA9]  }
0x2a: {  	p0 =	seq.s32 s5, $0x0;
	s5 =	sld [smem:$0x3FAA]  }
0x2b: {  	s6 =	sld [smem:$0x3FAB]  }
0x2c: {  	s7 =	sld [smem:$0x3FAC]  }
0x2d: {  	s3 =	simm.s32 $0x108;
	s8 =	sld [smem:$0x3FAD]  }
0x2e: {  	s3 =	simm.s32 @!p0 $0x1082;
	s9 =	sld [smem:$0x3FAE]  }
0x2f: {  	lr =	sadd.s32 s0, s3;
	s0 =	sld [smem:$0x3FA5]  }
0x30: {  	s3 =	sld [smem:$0x3FA8]  }
0x31: {  	[smem:$0x3FB1] =	sst s10  }
0x32: {  	s10 =	sld [smem:$0x3FAF];
	_ =	sdelay $0x3  }
0x33: {  	p0 =	seq.s32 s10, $0x1;
	s10 =	sld [smem:$0x3FB1];
	_ =	sdelay $0x3  }
0x34: {  	[smem:$0x3FB1] =	sst s10  }
0x35: {  	s10 =	sld [smem:$0x3FB0];
	_ =	sdelay $0x3  }
0x36: {  	p1 =	seq.s32 s10, $0x1;
	s10 =	sld [smem:$0x3FB1];
	_ =	sdelay $0x3  }
0x37: {  	[smem:$0x3FB1] =	sst s10  }
0x38: {  	s10 =	sld [smem:$0x3FB2]  }
0x39: {  	_ = 	snop;
	(pc) =	sbr.ind lr, $3  }
0x3a: {  	_ = 	snop  }
0x3b: {  	_ = 	snop  }
0x3c: {  	p2 =	seq.s32 s10, $0x1;
	s10 =	sld [smem:$0x3FB1]  }
0x3d: {  	_ =	shalt  }
0x3e: {  	_ =	shalt  }
0x3f: {  	_ =	shalt  }
0x40: {  	_ =	shalt  }
0x41: {  	_ =	shalt  }
0x42: {  	_ =	shalt  }
0x43: {  	_ =	shalt  }
0x44: {  	_ =	shalt  }
0x45: {  	_ =	shalt  }
0x46: {  	_ =	shalt  }
0x47: {  	_ =	shalt  }
0x48: {  	_ =	shalt  }
0x49: {  	_ =	shalt  }
0x4a: {  	_ =	shalt  }
0x4b: {  	_ =	shalt  }
0x4c: {  	_ =	shalt  }
0x4d: {  	_ =	shalt  }
0x4e: {  	_ =	shalt  }
0x4f: {  	_ =	shalt  }
0x50: {  	_ =	shalt  }
0x51: {  	_ =	shalt  }
0x52: {  	_ =	shalt  }
0x53: {  	_ =	shalt  }
0x54: {  	_ =	shalt  }
0x55: {  	_ =	shalt  }
0x56: {  	_ =	shalt  }
0x57: {  	_ =	shalt  }
0x58: {  	_ =	shalt  }
0x59: {  	_ =	shalt  }
0x5a: {  	_ =	shalt  }
0x5b: {  	_ =	shalt  }
0x5c: {  	_ =	shalt  }
0x5d: {  	_ =	shalt  }
0x5e: {  	_ =	shalt  }
0x5f: {  	_ =	shalt  }
0x60: {  	_ =	shalt  }
0x61: {  	_ =	shalt  }
0x62: {  	_ =	shalt  }
0x63: {  	_ =	shalt  }
0x64: {  	_ =	shalt  }
0x65: {  	_ =	shalt  }
0x66: {  	_ =	shalt  }
0x67: {  	_ =	shalt  }
0x68: {  	_ =	shalt  }
0x69: {  	_ =	shalt  }
0x6a: {  	_ =	shalt  }
0x6b: {  	_ =	shalt  }
0x6c: {  	_ =	shalt  }
0x6d: {  	_ =	shalt  }
0x6e: {  	_ =	shalt  }
0x6f: {  	_ =	shalt  }
0x70: {  	_ =	shalt  }
0x71: {  	_ =	shalt  }
0x72: {  	_ =	shalt  }
0x73: {  	_ =	shalt  }
0x74: {  	_ =	shalt  }
0x75: {  	_ =	shalt  }
0x76: {  	_ =	shalt  }
0x77: {  	_ =	shalt  }
0x78: {  	_ =	shalt  }
0x79: {  	_ =	shalt  }
0x7a: {  	_ =	shalt  }
0x7b: {  	_ =	shalt  }
0x7c: {  	_ =	shalt  }
0x7d: {  	_ =	shalt  }
0x7e: {  	_ =	shalt  }
0x7f: {  	_ =	shalt  }
0x80: {  	_ =	shalt  }
0x81: {  	_ =	shalt  }
0x82: {  	_ =	shalt  }
0x83: {  	_ =	shalt  }
0x84: {  	_ =	shalt  }
0x85: {  	_ =	shalt  }
0x86: {  	_ =	shalt  }
0x87: {  	_ =	shalt  }
.Lfunc_end0:
.L_simem_size_0:
called_computation_lowered:
.L_overlay_start_0:
0x88: {  	s2 =	sld [smem:$0x3FD9]  }
0x89: {  	s3 =	sld [smem:$0x3FFE];
	_ =	sdelay $0x1  }
0x8a: {  	s1 =	srdreg.scid  }
0x8b: {  	s0 =	sand.u32 $0x1, s1  }
0x8c: {  	s14 =	sshll.u32 s0, $0xA;
	s2 =	sadd.s32 s3, s2  }
0x8d: {  	s2 =	sadd.s32 s2, s14  }
0x8e: {  	[smem:$0x3FBD] =	sst s2  }
0x8f: {  	_ = 	snop  }
0x90: {  	s2 =	sld [smem:$0x3FD0];
	_ =	sdelay $0x2  }
0x91: {  	s15 =	simm.s32 $0xA;
	s4 =	simm.s32 $0x10  }
0x92: {  	[smem:s4], [sflag:s15] =	dma.local [hbm:s2], $0x1  }
0x93: {  	_ =	swait.eq [sflag:s15], $0x1  }
0x94: {  	[sflag:s15] =	ssyncset.done $0x0  }
0x95: {  	[sflag:s15] =	ssyncadd.s32 $0xFFFFFFFF  }
0x96: {  	s16 =	sld [smem:$0x11];
	(tm) =	ssettm $0x1  }
0x97: {  	s17 =	sld [smem:$0x3FFB];
	_ =	sdelay $0x3  }
0x98: {  	_ =	strace s17  }
0x99: {  	s3 =	sld [smem:$0x3FFC];
	_ =	sdelay $0x3  }
0x9a: {  	_ =	strace s3  }
0x9b: {  	s3 =	sld [smem:$0x3FFD];
	_ =	sdelay $0x3  }
0x9c: {  	_ =	strace s3  }
0x9d: {  	_ =	strace $0x8FFFFFFF  }
0x9e: {  	s18 =	sld [smem:$0x3FDB];
	_ =	sdelay $0x1  }
0x9f: {  	s19 =	simm.s32 $_scs_section_size  }
0xa0: {  	s5 =	simm.s32 $_size__tile_overlayer_lowered;
	s6 =	simm.s32 $_tile_overlayer_lowered  }
0xa1: {  	s22 =	simm.s32 $0x1BFF;
	s21 =	sshll.u32 s6, $0x1;
	s3 =	sadd.s32 s19, s18  }
0xa2: {  	s7 =	simm.s32 $0x0;
	s20 =	sshll.u32 s5, $0x1;
	s5 =	sadd.s32 s21, s3  }
0xa3: {  	[timem:s7], [sflag:s22] =	dma.local [hbm:s5], s20  }
0xa4: {  	_ =	swait.ge [sflag:s22], s20  }
0xa5: {  	s4 =	ssub.s32 $0x0, s20;
	[sflag:s22] =	ssyncset.done $0x0  }
0xa6: {  	[sflag:s22] =	ssyncadd.s32 s4;
	_ =	sdelay $0x1  }
0xa7: {  	s23 =	simm.s32 $0x1B8B  }
0xa8: {  	_ =	swait.ge [sflag:s23], $0x1  }
0xa9: {  	[sflag:s23] =	ssyncset.done $0x0  }
0xaa: {  	s25 =	simm.s32 $0x1B8E;
	s24 =	sld [smem:$0x3FFE];
	[sflag:s23] =	ssyncadd.s32 $0xFFFFFFFF  }
0xab: {  	s26 =	simm.s32 $execute0_lowered;
	[smem:$0x3FD2] =	sst s25  }
0xac: {  	s5 =	sshll.u32 s26, $0x1;
	_ =	strace $0x80000046;
	[dreg:$0x1] =	wrdreg $0xFFFFFFFF  }
0xad: {  	s28 =	simm.s32 $_size_execute0_lowered;
	s3 =	sadd.s32 s3, s5;
	[dreg:$0x0] =	wrdreg $0x0  }
0xae: {  	s5 =	sshll.u32 s28, $0x1;
	[dreg:$0x2] =	wrdreg s3  }
0xaf: {  	[dreg:$0x3] =	wrdreg s5  }
0xb0: {  	[dreg:$0x4] =	wrdreg $0xC0  }
0xb1: {  	_ =	task [dreg:s7], $0x5FFFF  }
0xb2: {  	[dreg:$0x1] =	wrdreg $0xFFFFFFFF  }
0xb3: {  	[dreg:$0x0] =	wrdreg $0x60  }
0xb4: {  	[dreg:$0x2] =	wrdreg s24  }
0xb5: {  	[dreg:$0x3] =	wrdreg s16  }
0xb6: {  	[dreg:$0x4] =	wrdreg $0x9  }
0xb7: {  	_ =	task.clear_ibuf [dreg:s7], $0x5FFFF;
	_ =	strace $0x90000046  }
0xb8: {  	s29 =	simm.s32 $0x9;
	_ =	strace $0x80000048  }
0xb9: {  	_ =	swait.ge [sflag:s29], $0x1  }
0xba: {  	[sflag:s29] =	ssyncadd.s32 $0xFFFFFFFF  }
0xbb: {  	_ =	strace $0x90000048  }
0xbc: {  	_ =	sfence  }
0xbd: {  	s30 =	sld [smem:$0x0];
	_ =	sdelay $0x2  }
0xbe: {  	s31 =	sshll.u32 s1, $0xD;
	s1 =	sshrl.u32 s1, $0x2  }
0xbf: {  	s3 =	sand.u32 $0x4000, s31;
	s1 =	sadd.s32 s1, s30  }
0xc0: {  	s0 =	sor.u32 s3, s0;
	s1 =	sshll.u32 s1, $0x11  }
0xc1: {  	s0 =	sor.u32 s1, s0  }
0xc2: {  	s0 =	sadd.s32 $0x8F2B, s0  }
0xc3: {  	[sflag:s0] =	ssyncadd.remote.s32 $0x1  }
0xc4: {  	_ =	sfence.sel $0xFFFF  }
0xc5: {  	[dreg:$0x0] =	wrdreg $0xFFFFFFFF;
	(pc) =	sbr.abs _section_cstart, $3  }
0xc6: {  	[dreg:$0x1] =	wrdreg $0xFFFFFFFF  }
0xc7: {  	_ =	task.clear_ibuf [dreg:s7], $0x2FFFF;
	_ =	strace $0x9FFFFFFF  }
0xc8: {  	(tm) =	ssettm $0x7FFFFFFF  }
0xc9: {  	_ =	shalt  }
tec
execute0_lowered:
.L_overlay_start_1:
0x0: {  	(tag) =	ssettag $0x1  }
0x1: {  	s7 =	rddreg [dreg:$0x0]  }
0x2: {  	s2 =	rddreg [dreg:$0x1]  }
0x3: {  	s0 =	rddreg [dreg:$0x2]  }
0x4: {  	s1 =	srdreg.scid;
	_ =	strace $0x80000047;
	s4 =	simm.s32 $0x1  }
0x5: {  	s9 =	simm.s32 $0x3;
	s11 =	simm.s32 $0x0;
	s5 =	sshll.u32 s1, $0x4  }
.Ltmp0:
0x6: {  	s1 =	stileid.u32;
	s5 =	sand.u32 $0x10, s5;
	(pc) =	sbr.rel .LBB2_1-.Ltmp0, $4  }
0x7: {  	p0 =	por $0x0, $0x0;
	s3 =	sadd.s32 $0x3C00, s7;
	s6 =	sor.u32 s1, s5  }
0x8: {  	[sflag:s4] =	ssyncpa.u1 $0x0;
	s5 =	simm.s32 $0x2;
	s6 =	sshll.u32 s6, $0xB  }
0x9: {  	s7 =	sadd.s32 $0x104200, s7;
	[sflag:s5] =	ssyncpa.u1 $0x0;
	s8 =	sadd.s32 $0x800, s6  }
0xa: {  	vm0 =	vmmov $0xff;
	vm1 =	vcmask $0x3F20;
	[sflag:s9] =	ssyncpa.u1 $0x0;
	s10 =	smov.u32 s6;
	s9 =	simm.s32 $0x0  }
.LBB2_7:
0xb: {  	p1 =	slt.u32 s9, $0x2;
	s11 =	sadd.s32 $0x100, s10  }
0xc: {  	s13 =	smov.u32 s6;
	s9 =	sadd.s32 $0x1, s9;
	p2 =	slt.s32 s11, s8  }
0xd: {  	s13 =	smov.u32 @p2 s11;
	p2 =	sne.s32 s9, $0xA  }
.Ltmp1:
0xe: {  	_ = 	snop;
	(pc) =	sbr.rel @!p2 .LBB2_8-.Ltmp1, $4  }
0xf: {  	s12 =	simm.s32 @!p1 $0x3  }
0x10: {  	_ =	swait.ge @!p1 [sflag:s12], $0x8000  }
0x11: {  	p0 =	por !p0, !p0;
	[sflag:s12] =	ssyncset.done @!p1 $0x0  }
0x12: {  	s11 =	smov.u32 s10;
	s10 =	smov.u32 s13;
	[sflag:s12] =	ssyncadd.s32 @!p1 $0xFFFF8000  }
.LBB2_1:
0x13: {  	p1 =	sgt.u32 s9, $0x7  }
0x14: {  	s12 =	sxor.u32 @!p1 $0xFFFFFFFF, s9  }
0x15: {  	s13 =	sshrl.u32 @!p1 s10, $0x3;
	s12 =	sshll.u32 @!p1 s12, $0x8  }
0x16: {  	s14 =	sand.u32 @!p1 $0x7, s10;
	s13 =	sadd.s32 @!p1 s2, s13;
	s12 =	sand.u32 @!p1 $0x100, s12  }
0x17: {  	[tilespmem:s12], [sflag:$0x2] =	stream.linear.gather @!p1 [hbm4b:s13+s14], $0x100, $0x38;
	[tilespmem:$0x10200] =	vst v63  }
0x18: {  	p1 =	seq.s32 s9, $0x0  }
0x19: {  	p2 =	seq.s32 @!p1 s9, $0x9  }
0x1a: {  	p1 =	por p1, p2  }
.Ltmp2:
0x1b: {  	_ = 	snop;
	(pc) =	sbr.rel @p1 .LBB2_7-.Ltmp2, $1  }
0x1c: {  	_ =	sdelay $0x3  }
0x1d: {  	s12 =	simm.s32 $0x1  }
0x1e: {  	_ =	swait.ge [sflag:s5], $0x100;
	s12 =	simm.s32 @!p0 $0x0  }
0x1f: {  	[sflag:s5] =	ssyncset.done $0x0;
	s14 =	sshll.u32 s12, $0x8  }
0x20: {  	[sflag:s5] =	ssyncadd.s32 $0xFFFFFF00;
	s13 =	sadd.s32 $0x0, s14  }
0x21: {  	v0 =	vld.msk [tilespmem:s13+$0x0 ss:$0x1], $0xffff;
	_ =	sdelay $0x4  }
0x22: {  	v1 =	vshll.u32 v0, $0x1  }
0x23: {  	vm2 =	veq.s32 v0, $0x80000000;
	v0 =	vshll.u32 v0, $0x11;
	v1 =	vand.u32 $0x1FF80, v1  }
0x24: {  	v0 =	vand.u32 $0x7E0000, v0;
	v1 =	vsel vm2, $0xFFFFFF80, v1  }
0x25: {  	v0 =	vsel vm2, $0xFFFE0000, v0;
	v2 =	vand.u32 $0xFFFFFC00, v1  }
0x26: {  	v1 =	vand.u32 $0x380, v1;
	v0 =	vadd.s32 v0, v2  }
0x27: {  	v0 =	vor.u32 v1, v0  }
0x28: {  	v0 =	vshrl.u32 v0, $0x3;
	_ =	sdelay $0x2  }
0x29: {  	s12 =	sshll.u32 s12, $0xF  }
0x2a: {  	s12 =	sor.u32 $0x200, s12  }
0x2b: {  	[tilespmem:s12], [sflag:$0x1] =	stream.indirect_vreg.gather [hbm:s3], $0x80, v0, vm0, $0x38;
	[tilespmem:$0x10200] =	vst v63  }
0x2c: {  	s15 =	sadd.s32 $0x10, s14;
	s13 =	sadd.s32 $0x400, s12  }
0x2d: {  	[tilespmem:s13], [sflag:$0x1] =	stream.indirect_vreg.gather [hbm:s3], $0x80, v0, vm1, $0x38;
	[tilespmem:$0x10200] =	vst v63  }
0x2e: {  	s16 =	simm.s32 $0x80;
	v0 =	vld.msk [tilespmem:s15+$0x0 ss:$0x1], $0xffff;
	s15 =	smov.u32 s12  }
.LBB2_3:
0x2f: {  	p1 =	sne.s32 s16, $0x3C0;
	_ =	sdelay $0x4  }
0x30: {  	v1 =	vshll.u32 v0, $0x1  }
0x31: {  	vm2 =	veq.s32 v0, $0x80000000;
	v0 =	vshll.u32 v0, $0x11;
	v1 =	vand.u32 $0x1FF80, v1  }
0x32: {  	v0 =	vand.u32 $0x7E0000, v0;
	v1 =	vsel vm2, $0xFFFFFF80, v1  }
0x33: {  	v0 =	vsel vm2, $0xFFFE0000, v0;
	v2 =	vand.u32 $0xFFFFFC00, v1  }
0x34: {  	v1 =	vand.u32 $0x380, v1;
	v0 =	vadd.s32 v0, v2  }
0x35: {  	v0 =	vor.u32 v1, v0  }
0x36: {  	v0 =	vshrl.u32 v0, $0x3;
	_ =	sdelay $0x3  }
.Ltmp3:
0x37: {  	s17 =	sshra.s32 s16, $0x2;
	s15 =	sadd.s32 $0x800, s15;
	(pc) =	sbr.rel @p1 .LBB2_3-.Ltmp3, $4  }
0x38: {  	[tilespmem:s15], [sflag:$0x1] =	stream.indirect_vreg.gather [hbm:s3], $0x80, v0, vm0, $0x38;
	[tilespmem:$0x10200] =	vst v63  }
0x39: {  	s17 =	sadd.s32 s17, s14;
	s18 =	sadd.s32 $0x400, s15  }
0x3a: {  	[tilespmem:s18], [sflag:$0x1] =	stream.indirect_vreg.gather [hbm:s3], $0x80, v0, vm1, $0x38;
	[tilespmem:$0x10200] =	vst v63  }
0x3b: {  	s16 =	sadd.s32 $0x40, s16;
	v0 =	vld.msk [tilespmem:s17+$0x0 ss:$0x1], $0xffff  }
0x3c: {  	_ =	sdelay $0x3  }
0x3d: {  	v1 =	vshll.u32 v0, $0x1  }
0x3e: {  	vm2 =	veq.s32 v0, $0x80000000;
	v63 =	vshll.u32 v0, $0x11;
	v1 =	vand.u32 $0x1FF80, v1  }
0x3f: {  	v0 =	vand.u32 $0x7E0000, v63;
	v1 =	vsel vm2, $0xFFFFFF80, v1  }
0x40: {  	v0 =	vsel vm2, $0xFFFE0000, v0;
	v2 =	vand.u32 $0xFFFFFC00, v1  }
0x41: {  	v1 =	vand.u32 $0x380, v1;
	v0 =	vadd.s32 v0, v2  }
0x42: {  	v0 =	vor.u32 v1, v0  }
0x43: {  	v0 =	vshrl.u32 v0, $0x3;
	_ =	sdelay $0x3  }
0x44: {  	s14 =	sadd.s32 $0x800, s15  }
0x45: {  	[tilespmem:s14], [sflag:$0x1] =	stream.indirect_vreg.gather [hbm:s3], $0x80, v0, vm0, $0x38;
	[tilespmem:$0x10200] =	vst v63  }
0x46: {  	s14 =	sadd.s32 $0x400, s14  }
0x47: {  	[tilespmem:s14], [sflag:$0x1] =	stream.indirect_vreg.gather [hbm:s3], $0x80, v0, vm1, $0x38;
	[tilespmem:$0x10200] =	vst v63  }
0x48: {  	s11 =	sshll.u32 s11, $0x4;
	_ =	swait.ge [sflag:s4], $0x8000  }
0x49: {  	s11 =	sadd.s32 s11, s7;
	[sflag:s4] =	ssyncset.done $0x0  }
0x4a: {  	s15 =	sadd.s32 $0x0, s11;
	s14 =	simm.s32 $0x80;
	[sflag:s4] =	ssyncadd.s32 $0xFFFF8000  }
.LBB2_5:
0x4b: {  	[hbm:s15] =	stream.linear.scatter [tilespmem:s12], [sflag:$0x3], $0x400, $0x38;
	[tilespmem:$0x10200] =	vst v63  }
0x4c: {  	s15 =	smov.u32 s14;
	s12 =	smov.u32 s13;
	p1 =	sne.s32 s14, $0xF80  }
.Ltmp4:
0x4d: {  	s14 =	sadd.s32 $0x80, s14;
	(pc) =	sbr.rel @p1 .LBB2_5-.Ltmp4, $2  }
0x4e: {  	_ =	sdelay $0x2  }
0x4f: {  	s13 =	sadd.s32 $0x400, s13;
	s15 =	sadd.s32 s15, s11  }
.Ltmp5:
0x50: {  	(pc) =	sbr.rel .LBB2_7-.Ltmp5, $2  }
0x51: {  	_ =	sdelay $0x2  }
0x52: {  	[hbm:s15] =	stream.linear.scatter [tilespmem:s12], [sflag:$0x3], $0x400, $0x38;
	[tilespmem:$0x10200] =	vst v63  }
.LBB2_8:
0x53: {  	_ =	sfence.sel $0x180000  }
0x54: {  	s2 =	simm.s32 $0x2;
	[bflag:$0x0] =	sbarrier.arrive $0xFFFF  }
0x55: {  	s30 =	simm.s32 $0x3;
	[sflag:s2] =	ssyncpa.u1 $0x1  }
0x56: {  	s31 =	simm.s32 $0x1;
	[sflag:s30] =	ssyncpa.u1 $0x1  }
0x57: {  	[sflag:s31] =	ssyncpa.u1 $0x1  }
0x58: {  	p0 =	sne.s32 s1, $0x0;
	_ =	strace $0x90000047  }
0x59: {  	s0 =	sadd.s32 @!p0 $0x100000, s0;
	[bflag:$0x2] =	sbarrier.arrive $0xFFFF  }
0x5a: {  	[sflag:s0] =	ssyncadd.tile.s32 @!p0 $0x1;
	_ =	shalt  }
.Lfunc_end2:
_tile_overlayer_lowered:
.L_overlay_start_2:
0x5b: {  	(tag) =	ssettag $0x2  }
0x5c: {  	s0 =	rddreg [dreg:$0x0];
	s2 =	stileid.u32  }
0x5d: {  	s1 =	rddreg [dreg:$0x1];
	p0 =	sne.s32 s2, $0x0  }
0x5e: {  	s3 =	rddreg [dreg:$0x2];
	[bflag:$0x3] =	sbarrier.arrive $0xFFFF;
	s2 =	simm.s32 @!p0 $0x1C01  }
0x5f: {  	[timem:s3], [sflag:s2] =	dma.local @!p0 [hbm:s0], s1  }
0x60: {  	s0 =	simm.s32 @!p0 $0x1  }
0x61: {  	_ =	swait.ge @!p0 [sflag:s0], s1  }
0x62: {  	s1 =	ssub.s32 @!p0 $0x0, s1;
	[sflag:s0] =	ssyncset.done @!p0 $0x0  }
0x63: {  	[sflag:s0] =	ssyncadd.s32 @!p0 s1  }
0x64: {  	[bflag:$0x3] =	sbarrier.arrive $0xFFFF  }
0x65: {  	_ =	shalt  }

</sc_bundles>
